<compile_context>
chip_gen: v7x
topology: tpu7x:2x2x1
jax: 0.10.2.dev20260603
libtpu: 0.0.44.dev20260713+nightly
codegen_flags: <defaults>
</compile_context>

<pallas_src>
import functools
import jax
import jax.numpy as jnp
from jax import lax
from jax.experimental import pallas as pl
from jax.experimental.pallas import tpu as pltpu
from jax.experimental.pallas import tpu_sc as plsc

EMBED = 2048
NLEV = 16
L = 16
NW = 32
B0 = 1024
B1 = 20
N = B0 * B1
BPW = B0 // NW
CHUNK = EMBED // L
UNR = 16
TBL = (NLEV - 1) * EMBED


def _encode_body(w_ref, t_ref, u_ref):
    w = w_ref[...]
    t = t_ref[...]
    ws = w[:-1, :]
    we = w[1:, :]
    u_ref[...] = ws * jnp.where(ws == we, -1.5, t)


def _encode(weight, threshold):
    return pl.pallas_call(
        _encode_body,
        out_shape=jax.ShapeDtypeStruct((NLEV - 1, EMBED), jnp.float32),
    )(weight, threshold)


def _sc_body(x_hbm, u_hbm, out_hbm, x_v, u_v, tau_v, gb_v, buf_v, sem0, sem1):
    cid = lax.axis_index("c")
    sid = lax.axis_index("s")
    wid = sid * 2 + cid
    base_b = wid * BPW
    pltpu.sync_copy(u_hbm, u_v)
    pltpu.sync_copy(x_hbm.at[pl.ds(base_b * B1, BPW * B1)], x_v)

    def pre(j, carry):
        xv = x_v[pl.ds(j * L, L)]
        span = jnp.clip(xv * float(NLEV - 1), 0.0, float(NLEV - 1))
        idxi = jnp.minimum(span.astype(jnp.int32), NLEV - 2)
        tau_v[pl.ds(j * L, L)] = span - idxi.astype(jnp.float32)
        gb_v[pl.ds(j * L, L)] = idxi * EMBED
        return carry

    lax.fori_loop(0, (BPW * B1) // L, pre, 0)

    def batch(g, carry):
        j = lax.div(g, 2)
        h = lax.rem(g, 2)
        slot = lax.rem(g, 2)
        @pl.when(g >= 2)
        def _wait():
            @pl.when(slot == 0)
            def _w0():
                pltpu.make_async_copy(buf_v.at[0], out_hbm.at[0, pl.ds(base_b, L)], sem0).wait()

            @pl.when(slot == 1)
            def _w1():
                pltpu.make_async_copy(buf_v.at[1], out_hbm.at[0, pl.ds(base_b, L)], sem1).wait()

        def row(r, carry2):
            rowidx = (h * L + r) * B1 + j
            tau = jnp.full((L,), tau_v[pl.ds(rowidx, L)][0], jnp.float32)
            gb = gb_v[pl.ds(rowidx, L)][0]
            taub = plsc.bitcast(tau, jnp.int32)

            def col(jc, sb):
                us = [u_v[pl.ds(sb + k * L, L)] for k in range(UNR)]
                for k in range(UNR):
                    d = plsc.bitcast(us[k], jnp.int32) - taub
                    val = jnp.where(d < 0, 1.0, -1.0).astype(jnp.float32)
                    buf_v[slot, r, pl.ds(jc * (UNR * L) + k * L, L)] = val
                return sb + UNR * L

            lax.fori_loop(0, CHUNK // UNR, col, gb)
            return carry2

        lax.fori_loop(0, L, row, 0)
        dst_row = base_b + h * L

        @pl.when(slot == 0)
        def _s0():
            pltpu.async_copy(buf_v.at[0], out_hbm.at[j, pl.ds(dst_row, L)], sem0)

        @pl.when(slot == 1)
        def _s1():
            pltpu.async_copy(buf_v.at[1], out_hbm.at[j, pl.ds(dst_row, L)], sem1)

        return carry

    lax.fori_loop(0, 2 * B1, batch, 0)
    pltpu.make_async_copy(buf_v.at[0], out_hbm.at[0, pl.ds(base_b, L)], sem0).wait()
    pltpu.make_async_copy(buf_v.at[1], out_hbm.at[0, pl.ds(base_b, L)], sem1).wait()


@jax.jit
def _run(x_flat, u_flat):
    mesh = plsc.VectorSubcoreMesh(core_axis_name="c", subcore_axis_name="s")
    sc = pl.kernel(
        _sc_body,
        out_type=jax.ShapeDtypeStruct((B1, B0, EMBED), jnp.float32),
        mesh=mesh,
        compiler_params=pltpu.CompilerParams(
            needs_layout_passes=False,
            use_tc_tiling_on_sc=True,
        ),
        scratch_types=[
            pltpu.VMEM((BPW * B1,), jnp.float32),
            pltpu.VMEM((TBL,), jnp.float32),
            pltpu.VMEM((BPW * B1 + L,), jnp.float32),
            pltpu.VMEM((BPW * B1 + L,), jnp.int32),
            pltpu.VMEM((2, L, EMBED), jnp.float32),
            pltpu.SemaphoreType.DMA,
            pltpu.SemaphoreType.DMA,
        ],
    )
    return sc(x_flat, u_flat)


def kernel(input, weight, threshold):
    u = _encode(weight, threshold)
    out_t = _run(input.reshape(N), u.reshape(TBL))
    return jnp.transpose(out_t, (1, 0, 2)).reshape(*input.shape, EMBED)

# --- scband reference (transcript-rebuilt; emitter-appended) ---
"""Pipeline reference for scband-level-47270410059969 (READ-ONLY COPY).

The authoritative reference and input builder live on the scoring server;
editing this copy changes nothing except your own understanding.
"""

import jax, jax.numpy as jnp
import numpy as np

EMBED_DIM = 2048
NUM_ORTHO = 16.0
NUM_EMB = 16  # ceil(num_ortho)
LOW = 0.0
HIGH = 1.0


def setup_inputs(seed: int = 0) -> dict:
    key = jax.random.key(seed)
    k1, k2, k3 = jax.random.split(key, 3)
    inp = jax.random.uniform(k1, (1024, 20), dtype=jnp.float32)
    # torchhd functional.random_hv with MAP model: random bipolar {-1, +1} hypervectors
    weight = jnp.where(
        jax.random.uniform(k2, (NUM_EMB, EMBED_DIM)) < 0.5, -1.0, 1.0
    ).astype(jnp.float32)
    threshold = jax.random.uniform(
        k3, (NUM_EMB - 1, EMBED_DIM), dtype=jnp.float32
    )
    return {"input": inp, "weight": weight, "threshold": threshold}


def reference(input, weight, threshold):
    shape = input.shape
    # functional.map_range(input, low, high, 0, num_embeddings - 1)
    span = (input - LOW) / (HIGH - LOW) * (NUM_EMB - 1)
    span = jnp.clip(span, 0.0, float(NUM_EMB - 1))
    span_idx = jnp.minimum(jnp.floor(span), float(NUM_EMB - 2))
    tau = (span - span_idx).reshape(-1)[:, None]
    idx = span_idx.astype(jnp.int32).reshape(-1)
    span_start = jnp.take(weight, idx, axis=0)
    span_end = jnp.take(weight, idx + 1, axis=0)
    thr = jnp.take(threshold, idx, axis=0)
    hv = jnp.where(thr < tau, span_start, span_end)
    return hv.reshape(*shape, EMBED_DIM)

if __name__ == "__main__":
    import jax
    _d = setup_inputs()
    print(jax.jit(kernel)(*tuple(_d.values())))

</pallas_src>

<mosaic_0001>
#map = affine_map<(d0, d1) -> (0)>
#map1 = affine_map<(d0, d1) -> (0, 0, 0)>
module attributes {stable_mosaic.version = 14 : i64} {
  func.func @_sc_body(%arg0: i32, %arg1: i32, %arg2: memref<20480xf32, #tpu.memory_space<hbm>>, %arg3: memref<30720xf32, #tpu.memory_space<hbm>>, %arg4: memref<20x1024x2048xf32, #tpu.memory_space<hbm>>, %arg5: memref<640xf32, #tpu.memory_space<vmem>>, %arg6: memref<30720xf32, #tpu.memory_space<vmem>>, %arg7: memref<656xf32, #tpu.memory_space<vmem>>, %arg8: memref<656xi32, #tpu.memory_space<vmem>>, %arg9: memref<2x16x2048xf32, #tpu.memory_space<vmem>>, %arg10: memref<!tpu.dma_semaphore, #tpu.memory_space<semaphore_mem>>, %arg11: memref<!tpu.dma_semaphore, #tpu.memory_space<semaphore_mem>>) attributes {dimension_semantics = [#tpu.dimension_semantics<core_parallel>, #tpu.dimension_semantics<subcore_parallel>], iteration_bounds = array<i64: 2, 16>, scalar_prefetch = 0 : i64, scratch_operands = 7 : i64, tpu.core_type = #tpu.core_type<sc_vector_subcore>, window_params = [{transform_indices = #map}, {transform_indices = #map}, {transform_indices = #map1}]} {
    %mul3A = arith.constant 2 : i32
    %mul3A_0 = arith.muli %arg1, %mul3A : i32
    %add3A = arith.addi %mul3A_0, %arg0 : i32
    %mul3A_1 = arith.constant 32 : i32
    %mul3A_2 = arith.muli %add3A, %mul3A_1 : i32
    "tpu.region"() ({
      %run_scoped3A = tpu.sem_alloc : memref<!tpu.dma_semaphore, #tpu.memory_space<semaphore_mem>>
      tpu.enqueue_dma source(%arg3 : memref<30720xf32, #tpu.memory_space<hbm>>) target(%arg6 : memref<30720xf32, #tpu.memory_space<vmem>>) target_semaphore(%run_scoped3A : memref<!tpu.dma_semaphore, #tpu.memory_space<semaphore_mem>>)
      tpu.wait_dma2 semaphore(%run_scoped3A : memref<!tpu.dma_semaphore, #tpu.memory_space<semaphore_mem>>) src(%arg3 : memref<30720xf32, #tpu.memory_space<hbm>>) dst(%arg6 : memref<30720xf32, #tpu.memory_space<vmem>>)
      tpu.yield
    }) : () -> ()
    %mul3A_3 = arith.constant 20 : i32
    %mul3A_4 = arith.muli %mul3A_2, %mul3A_3 : i32
    "tpu.region"() ({
      %run_scoped3A = tpu.sem_alloc : memref<!tpu.dma_semaphore, #tpu.memory_space<semaphore_mem>>
      %dma_start3A = tpu.memref_slice %arg2[%mul3A_4] : memref<20480xf32, #tpu.memory_space<hbm>> -> memref<640xf32, #tpu.memory_space<hbm>>
      %dma_start3A_47 = tpu.memref_slice %arg2[%mul3A_4] : memref<20480xf32, #tpu.memory_space<hbm>> -> memref<640xf32, #tpu.memory_space<hbm>>
      tpu.enqueue_dma source(%dma_start3A_47 : memref<640xf32, #tpu.memory_space<hbm>>) target(%arg5 : memref<640xf32, #tpu.memory_space<vmem>>) target_semaphore(%run_scoped3A : memref<!tpu.dma_semaphore, #tpu.memory_space<semaphore_mem>>)
      %dma_wait3A_48 = tpu.memref_slice %arg2[%mul3A_4] : memref<20480xf32, #tpu.memory_space<hbm>> -> memref<640xf32, #tpu.memory_space<hbm>>
      %dma_wait3A_49 = tpu.memref_slice %arg2[%mul3A_4] : memref<20480xf32, #tpu.memory_space<hbm>> -> memref<640xf32, #tpu.memory_space<hbm>>
      tpu.wait_dma2 semaphore(%run_scoped3A : memref<!tpu.dma_semaphore, #tpu.memory_space<semaphore_mem>>) src(%dma_wait3A_49 : memref<640xf32, #tpu.memory_space<hbm>>) dst(%arg5 : memref<640xf32, #tpu.memory_space<vmem>>)
      tpu.yield
    }) : () -> ()
    %scan3A = arith.constant 0 : i32
    %scan3A_5 = arith.constant 0 : i32
    %scan3A_6 = arith.constant 40 : i32
    %scan3A_7 = arith.addi %scan3A_5, %scan3A_6 : i32
    %scan3A_8 = arith.constant 1 : i32
    scf.for %scan3A_47 = %scan3A_5 to %scan3A_7 step %scan3A_8  : i32 {
      %mul3A_48 = arith.constant 16 : i32
      %mul3A_49 = arith.muli %scan3A_47, %mul3A_48 : i32
      %get3A = arith.index_cast %mul3A_49 : i32 to index
      %get3A_50 = tpu.vector_load %arg5[%get3A] {strides = array<i32>} : memref<640xf32, #tpu.memory_space<vmem>>, vector<16xf32>,
      %mul3A_51 = arith.constant 1.500000e+01 : f32
      %mul3A_52 = vector.broadcast %mul3A_51 : f32 to vector<16xf32>
      %mul3A_53 = arith.mulf %get3A_50, %mul3A_52 : vector<16xf32>
      %jit3A = arith.constant 0.000000e+00 : f32
      %jit3A_54 = arith.constant 1.500000e+01 : f32
      %max3A = vector.broadcast %jit3A : f32 to vector<16xf32>
      %max3A_55 = arith.maximumf %max3A, %mul3A_53 : vector<16xf32>
      %min3A = vector.broadcast %jit3A_54 : f32 to vector<16xf32>
      %min3A_56 = arith.minimumf %min3A, %max3A_55 : vector<16xf32>
      %convert_element_type3A = arith.fptosi %min3A_56 : vector<16xf32> to vector<16xi32>
      %min3A_57 = arith.constant 14 : i32
      %min3A_58 = vector.broadcast %min3A_57 : i32 to vector<16xi32>
      %min3A_59 = arith.minsi %convert_element_type3A, %min3A_58 : vector<16xi32>
      %convert_element_type3A_60 = arith.sitofp %min3A_59 : vector<16xi32> to vector<16xf32>
      %sub3A = arith.subf %min3A_56, %convert_element_type3A_60 : vector<16xf32>
      %mul3A_61 = arith.constant 16 : i32
      %mul3A_62 = arith.muli %scan3A_47, %mul3A_61 : i32
      %swap3A = arith.index_cast %mul3A_62 : i32 to index
      %swap3A_63 = tpu.vector_load %arg7[%swap3A] {strides = array<i32>} : memref<656xf32, #tpu.memory_space<vmem>>, vector<16xf32>,
      tpu.vector_store %arg7[%swap3A], %sub3A {strides = array<i32>} : memref<656xf32, #tpu.memory_space<vmem>>, vector<16xf32>,
      %mul3A_64 = arith.constant 2048 : i32
      %mul3A_65 = vector.broadcast %mul3A_64 : i32 to vector<16xi32>
      %mul3A_66 = arith.muli %min3A_59, %mul3A_65 : vector<16xi32>
      %mul3A_67 = arith.constant 16 : i32
      %mul3A_68 = arith.muli %scan3A_47, %mul3A_67 : i32
      %swap3A_69 = arith.index_cast %mul3A_68 : i32 to index
      %swap3A_70 = tpu.vector_load %arg8[%swap3A_69] {strides = array<i32>} : memref<656xi32, #tpu.memory_space<vmem>>, vector<16xi32>,
      tpu.vector_store %arg8[%swap3A_69], %mul3A_66 {strides = array<i32>} : memref<656xi32, #tpu.memory_space<vmem>>, vector<16xi32>,
    }
    %scan3A_9 = arith.constant 40 : i32
    %scan3A_10 = arith.constant 0 : i32
    %scan3A_11 = arith.constant 0 : i32
    %scan3A_12 = arith.constant 40 : i32
    %scan3A_13 = arith.addi %scan3A_11, %scan3A_12 : i32
    %scan3A_14 = arith.constant 1 : i32
    scf.for %scan3A_47 = %scan3A_11 to %scan3A_13 step %scan3A_14  : i32 {
      %div3A = arith.constant 2 : i32
      %div3A_48 = arith.divsi %scan3A_47, %div3A : i32
      %rem3A = arith.constant 2 : i32
      %rem3A_49 = arith.remsi %scan3A_47, %rem3A : i32
      %rem3A_50 = arith.constant 2 : i32
      %rem3A_51 = arith.remsi %scan3A_47, %rem3A_50 : i32
      %ge3A = arith.constant 2 : i32
      %ge3A_52 = arith.cmpi sge, %scan3A_47, %ge3A : i32
      %convert_element_type3A = arith.extui %ge3A_52 : i1 to i32
      %cond3A = arith.constant 0 : i32
      %cond3A_53 = arith.cmpi ne, %convert_element_type3A, %cond3A : i32
      scf.if %cond3A_53 {
        %eq3A_72 = arith.constant 0 : i32
        %eq3A_73 = arith.cmpi eq, %rem3A_51, %eq3A_72 : i32
        %convert_element_type3A_74 = arith.extui %eq3A_73 : i1 to i32
        %cond3A_75 = arith.constant 0 : i32
        %cond3A_76 = arith.cmpi ne, %convert_element_type3A_74, %cond3A_75 : i32
        scf.if %cond3A_76 {
          %dma_wait3A_82 = arith.constant 0 : i32
          %dma_wait3A_83 = arith.constant 0 : i32
          %dma_wait3A_84 = arith.constant 0 : i32
          %dma_wait3A_85 = arith.constant 0 : i32
          %dma_wait3A_86 = tpu.memref_slice %arg9[%dma_wait3A_82, %dma_wait3A_84, %dma_wait3A_85] : memref<2x16x2048xf32, #tpu.memory_space<vmem>> -> memref<1x16x2048xf32, #tpu.memory_space<vmem>>
          %dma_wait3A_87 = tpu.memref_squeeze %dma_wait3A_86 : memref<1x16x2048xf32, #tpu.memory_space<vmem>> -> memref<16x2048xf32, #tpu.memory_space<vmem>>
          %dma_wait3A_88 = arith.constant 0 : i32
          %dma_wait3A_89 = tpu.memref_slice %arg4[%dma_wait3A_83, %mul3A_2, %dma_wait3A_88] : memref<20x1024x2048xf32, #tpu.memory_space<hbm>> -> memref<1x16x2048xf32, #tpu.memory_space<hbm>>
          %dma_wait3A_90 = tpu.memref_squeeze %dma_wait3A_89 : memref<1x16x2048xf32, #tpu.memory_space<hbm>> -> memref<16x2048xf32, #tpu.memory_space<hbm>>
          %dma_wait3A_91 = arith.constant 0 : i32
          %dma_wait3A_92 = tpu.memref_slice %arg4[%dma_wait3A_83, %mul3A_2, %dma_wait3A_91] : memref<20x1024x2048xf32, #tpu.memory_space<hbm>> -> memref<1x16x2048xf32, #tpu.memory_space<hbm>>
          %dma_wait3A_93 = tpu.memref_squeeze %dma_wait3A_92 : memref<1x16x2048xf32, #tpu.memory_space<hbm>> -> memref<16x2048xf32, #tpu.memory_space<hbm>>
          %dma_wait3A_94 = arith.constant 0 : i32
          %dma_wait3A_95 = arith.constant 0 : i32
          %dma_wait3A_96 = tpu.memref_slice %arg9[%dma_wait3A_82, %dma_wait3A_94, %dma_wait3A_95] : memref<2x16x2048xf32, #tpu.memory_space<vmem>> -> memref<1x16x2048xf32, #tpu.memory_space<vmem>>
          %dma_wait3A_97 = tpu.memref_squeeze %dma_wait3A_96 : memref<1x16x2048xf32, #tpu.memory_space<vmem>> -> memref<16x2048xf32, #tpu.memory_space<vmem>>
          tpu.wait_dma2 semaphore(%arg10 : memref<!tpu.dma_semaphore, #tpu.memory_space<semaphore_mem>>) src(%dma_wait3A_97 : memref<16x2048xf32, #tpu.memory_space<vmem>>) dst(%dma_wait3A_93 : memref<16x2048xf32, #tpu.memory_space<hbm>>)
        } else {
        }
        %eq3A_77 = arith.constant 1 : i32
        %eq3A_78 = arith.cmpi eq, %rem3A_51, %eq3A_77 : i32
        %convert_element_type3A_79 = arith.extui %eq3A_78 : i1 to i32
        %cond3A_80 = arith.constant 0 : i32
        %cond3A_81 = arith.cmpi ne, %convert_element_type3A_79, %cond3A_80 : i32
        scf.if %cond3A_81 {
          %dma_wait3A_82 = arith.constant 1 : i32
          %dma_wait3A_83 = arith.constant 0 : i32
          %dma_wait3A_84 = arith.constant 0 : i32
          %dma_wait3A_85 = arith.constant 0 : i32
          %dma_wait3A_86 = tpu.memref_slice %arg9[%dma_wait3A_82, %dma_wait3A_84, %dma_wait3A_85] : memref<2x16x2048xf32, #tpu.memory_space<vmem>> -> memref<1x16x2048xf32, #tpu.memory_space<vmem>>
          %dma_wait3A_87 = tpu.memref_squeeze %dma_wait3A_86 : memref<1x16x2048xf32, #tpu.memory_space<vmem>> -> memref<16x2048xf32, #tpu.memory_space<vmem>>
          %dma_wait3A_88 = arith.constant 0 : i32
          %dma_wait3A_89 = tpu.memref_slice %arg4[%dma_wait3A_83, %mul3A_2, %dma_wait3A_88] : memref<20x1024x2048xf32, #tpu.memory_space<hbm>> -> memref<1x16x2048xf32, #tpu.memory_space<hbm>>
          %dma_wait3A_90 = tpu.memref_squeeze %dma_wait3A_89 : memref<1x16x2048xf32, #tpu.memory_space<hbm>> -> memref<16x2048xf32, #tpu.memory_space<hbm>>
          %dma_wait3A_91 = arith.constant 0 : i32
          %dma_wait3A_92 = tpu.memref_slice %arg4[%dma_wait3A_83, %mul3A_2, %dma_wait3A_91] : memref<20x1024x2048xf32, #tpu.memory_space<hbm>> -> memref<1x16x2048xf32, #tpu.memory_space<hbm>>
          %dma_wait3A_93 = tpu.memref_squeeze %dma_wait3A_92 : memref<1x16x2048xf32, #tpu.memory_space<hbm>> -> memref<16x2048xf32, #tpu.memory_space<hbm>>
          %dma_wait3A_94 = arith.constant 0 : i32
          %dma_wait3A_95 = arith.constant 0 : i32
          %dma_wait3A_96 = tpu.memref_slice %arg9[%dma_wait3A_82, %dma_wait3A_94, %dma_wait3A_95] : memref<2x16x2048xf32, #tpu.memory_space<vmem>> -> memref<1x16x2048xf32, #tpu.memory_space<vmem>>
          %dma_wait3A_97 = tpu.memref_squeeze %dma_wait3A_96 : memref<1x16x2048xf32, #tpu.memory_space<vmem>> -> memref<16x2048xf32, #tpu.memory_space<vmem>>
          tpu.wait_dma2 semaphore(%arg11 : memref<!tpu.dma_semaphore, #tpu.memory_space<semaphore_mem>>) src(%dma_wait3A_97 : memref<16x2048xf32, #tpu.memory_space<vmem>>) dst(%dma_wait3A_93 : memref<16x2048xf32, #tpu.memory_space<hbm>>)
        } else {
        }
      } else {
      }
      %scan3A_54 = arith.constant 0 : i32
      %scan3A_55 = arith.constant 0 : i32
      %scan3A_56 = arith.constant 16 : i32
      %scan3A_57 = arith.addi %scan3A_55, %scan3A_56 : i32
      %scan3A_58 = arith.constant 1 : i32
      scf.for %scan3A_72 = %scan3A_55 to %scan3A_57 step %scan3A_58  : i32 {
        %mul3A_73 = arith.constant 16 : i32
        %mul3A_74 = arith.muli %rem3A_49, %mul3A_73 : i32
        %add3A_75 = arith.addi %mul3A_74, %scan3A_72 : i32
        %mul3A_76 = arith.constant 20 : i32
        %mul3A_77 = arith.muli %add3A_75, %mul3A_76 : i32
        %add3A_78 = arith.addi %mul3A_77, %div3A_48 : i32
        %get3A = arith.index_cast %add3A_78 : i32 to index
        %get3A_79 = tpu.vector_load %arg7[%get3A] {strides = array<i32>} : memref<656xf32, #tpu.memory_space<vmem>>, vector<16xf32>,
        %slice3A = vector.extract_strided_slice %get3A_79 {offsets = [0], sizes = [1], strides = [1]} : vector<16xf32> to vector<1xf32>
        %squeeze3A = vector.extract %slice3A[0] : f32 from vector<1xf32>
        %broadcast_in_dim3A = vector.broadcast %squeeze3A : f32 to vector<16xf32>
        %get3A_80 = arith.index_cast %add3A_78 : i32 to index
        %get3A_81 = tpu.vector_load %arg8[%get3A_80] {strides = array<i32>} : memref<656xi32, #tpu.memory_space<vmem>>, vector<16xi32>,
        %slice3A_82 = vector.extract_strided_slice %get3A_81 {offsets = [0], sizes = [1], strides = [1]} : vector<16xi32> to vector<1xi32>
        %squeeze3A_83 = vector.extract %slice3A_82[0] : i32 from vector<1xi32>
        %bitcast3A = vector.bitcast %broadcast_in_dim3A : vector<16xf32> to vector<16xi32>
        %scan3A_84 = arith.constant 0 : i32
        %scan3A_85 = arith.constant 8 : i32
        %scan3A_86 = arith.addi %scan3A_84, %scan3A_85 : i32
        %scan3A_87 = arith.constant 1 : i32
        %scan3A_88 = scf.for %scan3A_90 = %scan3A_84 to %scan3A_86 step %scan3A_87 iter_args(%scan3A_91 = %squeeze3A_83) -> (i32)  : i32 {
          %add3A_92 = arith.constant 0 : i32
          %add3A_93 = arith.addi %scan3A_91, %add3A_92 : i32
          %get3A_94 = arith.index_cast %add3A_93 : i32 to index
          %get3A_95 = tpu.vector_load %arg6[%get3A_94] {strides = array<i32>} : memref<30720xf32, #tpu.memory_space<vmem>>, vector<16xf32>,
          %add3A_96 = arith.constant 16 : i32
          %add3A_97 = arith.addi %scan3A_91, %add3A_96 : i32
          %get3A_98 = arith.index_cast %add3A_97 : i32 to index
          %get3A_99 = tpu.vector_load %arg6[%get3A_98] {strides = array<i32>} : memref<30720xf32, #tpu.memory_space<vmem>>, vector<16xf32>,
          %add3A_100 = arith.constant 32 : i32
          %add3A_101 = arith.addi %scan3A_91, %add3A_100 : i32
          %get3A_102 = arith.index_cast %add3A_101 : i32 to index
          %get3A_103 = tpu.vector_load %arg6[%get3A_102] {strides = array<i32>} : memref<30720xf32, #tpu.memory_space<vmem>>, vector<16xf32>,
          %add3A_104 = arith.constant 48 : i32
          %add3A_105 = arith.addi %scan3A_91, %add3A_104 : i32
          %get3A_106 = arith.index_cast %add3A_105 : i32 to index
          %get3A_107 = tpu.vector_load %arg6[%get3A_106] {strides = array<i32>} : memref<30720xf32, #tpu.memory_space<vmem>>, vector<16xf32>,
          %add3A_108 = arith.constant 64 : i32
          %add3A_109 = arith.addi %scan3A_91, %add3A_108 : i32
          %get3A_110 = arith.index_cast %add3A_109 : i32 to index
          %get3A_111 = tpu.vector_load %arg6[%get3A_110] {strides = array<i32>} : memref<30720xf32, #tpu.memory_space<vmem>>, vector<16xf32>,
          %add3A_112 = arith.constant 80 : i32
          %add3A_113 = arith.addi %scan3A_91, %add3A_112 : i32
          %get3A_114 = arith.index_cast %add3A_113 : i32 to index
          %get3A_115 = tpu.vector_load %arg6[%get3A_114] {strides = array<i32>} : memref<30720xf32, #tpu.memory_space<vmem>>, vector<16xf32>,
          %add3A_116 = arith.constant 96 : i32
          %add3A_117 = arith.addi %scan3A_91, %add3A_116 : i32
          %get3A_118 = arith.index_cast %add3A_117 : i32 to index
          %get3A_119 = tpu.vector_load %arg6[%get3A_118] {strides = array<i32>} : memref<30720xf32, #tpu.memory_space<vmem>>, vector<16xf32>,
          %add3A_120 = arith.constant 112 : i32
          %add3A_121 = arith.addi %scan3A_91, %add3A_120 : i32
          %get3A_122 = arith.index_cast %add3A_121 : i32 to index
          %get3A_123 = tpu.vector_load %arg6[%get3A_122] {strides = array<i32>} : memref<30720xf32, #tpu.memory_space<vmem>>, vector<16xf32>,
          %add3A_124 = arith.constant 128 : i32
          %add3A_125 = arith.addi %scan3A_91, %add3A_124 : i32
          %get3A_126 = arith.index_cast %add3A_125 : i32 to index
          %get3A_127 = tpu.vector_load %arg6[%get3A_126] {strides = array<i32>} : memref<30720xf32, #tpu.memory_space<vmem>>, vector<16xf32>,
          %add3A_128 = arith.constant 144 : i32
          %add3A_129 = arith.addi %scan3A_91, %add3A_128 : i32
          %get3A_130 = arith.index_cast %add3A_129 : i32 to index
          %get3A_131 = tpu.vector_load %arg6[%get3A_130] {strides = array<i32>} : memref<30720xf32, #tpu.memory_space<vmem>>, vector<16xf32>,
          %add3A_132 = arith.constant 160 : i32
          %add3A_133 = arith.addi %scan3A_91, %add3A_132 : i32
          %get3A_134 = arith.index_cast %add3A_133 : i32 to index
          %get3A_135 = tpu.vector_load %arg6[%get3A_134] {strides = array<i32>} : memref<30720xf32, #tpu.memory_space<vmem>>, vector<16xf32>,
          %add3A_136 = arith.constant 176 : i32
          %add3A_137 = arith.addi %scan3A_91, %add3A_136 : i32
          %get3A_138 = arith.index_cast %add3A_137 : i32 to index
          %get3A_139 = tpu.vector_load %arg6[%get3A_138] {strides = array<i32>} : memref<30720xf32, #tpu.memory_space<vmem>>, vector<16xf32>,
          %add3A_140 = arith.constant 192 : i32
          %add3A_141 = arith.addi %scan3A_91, %add3A_140 : i32
          %get3A_142 = arith.index_cast %add3A_141 : i32 to index
          %get3A_143 = tpu.vector_load %arg6[%get3A_142] {strides = array<i32>} : memref<30720xf32, #tpu.memory_space<vmem>>, vector<16xf32>,
          %add3A_144 = arith.constant 208 : i32
          %add3A_145 = arith.addi %scan3A_91, %add3A_144 : i32
          %get3A_146 = arith.index_cast %add3A_145 : i32 to index
          %get3A_147 = tpu.vector_load %arg6[%get3A_146] {strides = array<i32>} : memref<30720xf32, #tpu.memory_space<vmem>>, vector<16xf32>,
          %add3A_148 = arith.constant 224 : i32
          %add3A_149 = arith.addi %scan3A_91, %add3A_148 : i32
          %get3A_150 = arith.index_cast %add3A_149 : i32 to index
          %get3A_151 = tpu.vector_load %arg6[%get3A_150] {strides = array<i32>} : memref<30720xf32, #tpu.memory_space<vmem>>, vector<16xf32>,
          %add3A_152 = arith.constant 240 : i32
          %add3A_153 = arith.addi %scan3A_91, %add3A_152 : i32
          %get3A_154 = arith.index_cast %add3A_153 : i32 to index
          %get3A_155 = tpu.vector_load %arg6[%get3A_154] {strides = array<i32>} : memref<30720xf32, #tpu.memory_space<vmem>>, vector<16xf32>,
          %bitcast3A_156 = vector.bitcast %get3A_95 : vector<16xf32> to vector<16xi32>
          %sub3A = arith.subi %bitcast3A_156, %bitcast3A : vector<16xi32>
          %lt3A = arith.constant 0 : i32
          %lt3A_157 = vector.broadcast %lt3A : i32 to vector<16xi32>
          %lt3A_158 = arith.cmpi slt, %sub3A, %lt3A_157 : vector<16xi32>
          %jit3A = arith.constant 1.000000e+00 : f32
          %jit3A_159 = arith.constant -1.000000e+00 : f32
          %broadcast_in_dim3A_160 = vector.broadcast %jit3A : f32 to vector<16xf32>
          %broadcast_in_dim3A_161 = vector.broadcast %jit3A_159 : f32 to vector<16xf32>
          %select_n3A = arith.select %lt3A_158, %broadcast_in_dim3A_160, %broadcast_in_dim3A_161 : vector<16xi1>, vector<16xf32>
          %mul3A_162 = arith.constant 256 : i32
          %mul3A_163 = arith.muli %scan3A_90, %mul3A_162 : i32
          %add3A_164 = arith.constant 0 : i32
          %add3A_165 = arith.addi %mul3A_163, %add3A_164 : i32
          %swap3A = arith.index_cast %rem3A_51 : i32 to index
          %swap3A_166 = arith.index_cast %scan3A_72 : i32 to index
          %swap3A_167 = arith.index_cast %add3A_165 : i32 to index
          %swap3A_168 = tpu.vector_load %arg9[%swap3A, %swap3A_166, %swap3A_167] {strides = array<i32>} : memref<2x16x2048xf32, #tpu.memory_space<vmem>>, vector<16xf32>,
          tpu.vector_store %arg9[%swap3A, %swap3A_166, %swap3A_167], %select_n3A {strides = array<i32>} : memref<2x16x2048xf32, #tpu.memory_space<vmem>>, vector<16xf32>,
          %bitcast3A_169 = vector.bitcast %get3A_99 : vector<16xf32> to vector<16xi32>
          %sub3A_170 = arith.subi %bitcast3A_169, %bitcast3A : vector<16xi32>
          %lt3A_171 = arith.constant 0 : i32
          %lt3A_172 = vector.broadcast %lt3A_171 : i32 to vector<16xi32>
          %lt3A_173 = arith.cmpi slt, %sub3A_170, %lt3A_172 : vector<16xi32>
          %jit3A_174 = arith.constant 1.000000e+00 : f32
          %jit3A_175 = arith.constant -1.000000e+00 : f32
          %broadcast_in_dim3A_176 = vector.broadcast %jit3A_174 : f32 to vector<16xf32>
          %broadcast_in_dim3A_177 = vector.broadcast %jit3A_175 : f32 to vector<16xf32>
          %select_n3A_178 = arith.select %lt3A_173, %broadcast_in_dim3A_176, %broadcast_in_dim3A_177 : vector<16xi1>, vector<16xf32>
          %mul3A_179 = arith.constant 256 : i32
          %mul3A_180 = arith.muli %scan3A_90, %mul3A_179 : i32
          %add3A_181 = arith.constant 16 : i32
          %add3A_182 = arith.addi %mul3A_180, %add3A_181 : i32
          %swap3A_183 = arith.index_cast %rem3A_51 : i32 to index
          %swap3A_184 = arith.index_cast %scan3A_72 : i32 to index
          %swap3A_185 = arith.index_cast %add3A_182 : i32 to index
          %swap3A_186 = tpu.vector_load %arg9[%swap3A_183, %swap3A_184, %swap3A_185] {strides = array<i32>} : memref<2x16x2048xf32, #tpu.memory_space<vmem>>, vector<16xf32>,
          tpu.vector_store %arg9[%swap3A_183, %swap3A_184, %swap3A_185], %select_n3A_178 {strides = array<i32>} : memref<2x16x2048xf32, #tpu.memory_space<vmem>>, vector<16xf32>,
          %bitcast3A_187 = vector.bitcast %get3A_103 : vector<16xf32> to vector<16xi32>
          %sub3A_188 = arith.subi %bitcast3A_187, %bitcast3A : vector<16xi32>
          %lt3A_189 = arith.constant 0 : i32
          %lt3A_190 = vector.broadcast %lt3A_189 : i32 to vector<16xi32>
          %lt3A_191 = arith.cmpi slt, %sub3A_188, %lt3A_190 : vector<16xi32>
          %jit3A_192 = arith.constant 1.000000e+00 : f32
          %jit3A_193 = arith.constant -1.000000e+00 : f32
          %broadcast_in_dim3A_194 = vector.broadcast %jit3A_192 : f32 to vector<16xf32>
          %broadcast_in_dim3A_195 = vector.broadcast %jit3A_193 : f32 to vector<16xf32>
          %select_n3A_196 = arith.select %lt3A_191, %broadcast_in_dim3A_194, %broadcast_in_dim3A_195 : vector<16xi1>, vector<16xf32>
          %mul3A_197 = arith.constant 256 : i32
          %mul3A_198 = arith.muli %scan3A_90, %mul3A_197 : i32
          %add3A_199 = arith.constant 32 : i32
          %add3A_200 = arith.addi %mul3A_198, %add3A_199 : i32
          %swap3A_201 = arith.index_cast %rem3A_51 : i32 to index
          %swap3A_202 = arith.index_cast %scan3A_72 : i32 to index
          %swap3A_203 = arith.index_cast %add3A_200 : i32 to index
          %swap3A_204 = tpu.vector_load %arg9[%swap3A_201, %swap3A_202, %swap3A_203] {strides = array<i32>} : memref<2x16x2048xf32, #tpu.memory_space<vmem>>, vector<16xf32>,
          tpu.vector_store %arg9[%swap3A_201, %swap3A_202, %swap3A_203], %select_n3A_196 {strides = array<i32>} : memref<2x16x2048xf32, #tpu.memory_space<vmem>>, vector<16xf32>,
          %bitcast3A_205 = vector.bitcast %get3A_107 : vector<16xf32> to vector<16xi32>
          %sub3A_206 = arith.subi %bitcast3A_205, %bitcast3A : vector<16xi32>
          %lt3A_207 = arith.constant 0 : i32
          %lt3A_208 = vector.broadcast %lt3A_207 : i32 to vector<16xi32>
          %lt3A_209 = arith.cmpi slt, %sub3A_206, %lt3A_208 : vector<16xi32>
          %jit3A_210 = arith.constant 1.000000e+00 : f32
          %jit3A_211 = arith.constant -1.000000e+00 : f32
          %broadcast_in_dim3A_212 = vector.broadcast %jit3A_210 : f32 to vector<16xf32>
          %broadcast_in_dim3A_213 = vector.broadcast %jit3A_211 : f32 to vector<16xf32>
          %select_n3A_214 = arith.select %lt3A_209, %broadcast_in_dim3A_212, %broadcast_in_dim3A_213 : vector<16xi1>, vector<16xf32>
          %mul3A_215 = arith.constant 256 : i32
          %mul3A_216 = arith.muli %scan3A_90, %mul3A_215 : i32
          %add3A_217 = arith.constant 48 : i32
          %add3A_218 = arith.addi %mul3A_216, %add3A_217 : i32
          %swap3A_219 = arith.index_cast %rem3A_51 : i32 to index
          %swap3A_220 = arith.index_cast %scan3A_72 : i32 to index
          %swap3A_221 = arith.index_cast %add3A_218 : i32 to index
          %swap3A_222 = tpu.vector_load %arg9[%swap3A_219, %swap3A_220, %swap3A_221] {strides = array<i32>} : memref<2x16x2048xf32, #tpu.memory_space<vmem>>, vector<16xf32>,
          tpu.vector_store %arg9[%swap3A_219, %swap3A_220, %swap3A_221], %select_n3A_214 {strides = array<i32>} : memref<2x16x2048xf32, #tpu.memory_space<vmem>>, vector<16xf32>,
          %bitcast3A_223 = vector.bitcast %get3A_111 : vector<16xf32> to vector<16xi32>
          %sub3A_224 = arith.subi %bitcast3A_223, %bitcast3A : vector<16xi32>
          %lt3A_225 = arith.constant 0 : i32
          %lt3A_226 = vector.broadcast %lt3A_225 : i32 to vector<16xi32>
          %lt3A_227 = arith.cmpi slt, %sub3A_224, %lt3A_226 : vector<16xi32>
          %jit3A_228 = arith.constant 1.000000e+00 : f32
          %jit3A_229 = arith.constant -1.000000e+00 : f32
          %broadcast_in_dim3A_230 = vector.broadcast %jit3A_228 : f32 to vector<16xf32>
          %broadcast_in_dim3A_231 = vector.broadcast %jit3A_229 : f32 to vector<16xf32>
          %select_n3A_232 = arith.select %lt3A_227, %broadcast_in_dim3A_230, %broadcast_in_dim3A_231 : vector<16xi1>, vector<16xf32>
          %mul3A_233 = arith.constant 256 : i32
          %mul3A_234 = arith.muli %scan3A_90, %mul3A_233 : i32
          %add3A_235 = arith.constant 64 : i32
          %add3A_236 = arith.addi %mul3A_234, %add3A_235 : i32
          %swap3A_237 = arith.index_cast %rem3A_51 : i32 to index
          %swap3A_238 = arith.index_cast %scan3A_72 : i32 to index
          %swap3A_239 = arith.index_cast %add3A_236 : i32 to index
          %swap3A_240 = tpu.vector_load %arg9[%swap3A_237, %swap3A_238, %swap3A_239] {strides = array<i32>} : memref<2x16x2048xf32, #tpu.memory_space<vmem>>, vector<16xf32>,
          tpu.vector_store %arg9[%swap3A_237, %swap3A_238, %swap3A_239], %select_n3A_232 {strides = array<i32>} : memref<2x16x2048xf32, #tpu.memory_space<vmem>>, vector<16xf32>,
          %bitcast3A_241 = vector.bitcast %get3A_115 : vector<16xf32> to vector<16xi32>
          %sub3A_242 = arith.subi %bitcast3A_241, %bitcast3A : vector<16xi32>
          %lt3A_243 = arith.constant 0 : i32
          %lt3A_244 = vector.broadcast %lt3A_243 : i32 to vector<16xi32>
          %lt3A_245 = arith.cmpi slt, %sub3A_242, %lt3A_244 : vector<16xi32>
          %jit3A_246 = arith.constant 1.000000e+00 : f32
          %jit3A_247 = arith.constant -1.000000e+00 : f32
          %broadcast_in_dim3A_248 = vector.broadcast %jit3A_246 : f32 to vector<16xf32>
          %broadcast_in_dim3A_249 = vector.broadcast %jit3A_247 : f32 to vector<16xf32>
          %select_n3A_250 = arith.select %lt3A_245, %broadcast_in_dim3A_248, %broadcast_in_dim3A_249 : vector<16xi1>, vector<16xf32>
          %mul3A_251 = arith.constant 256 : i32
          %mul3A_252 = arith.muli %scan3A_90, %mul3A_251 : i32
          %add3A_253 = arith.constant 80 : i32
          %add3A_254 = arith.addi %mul3A_252, %add3A_253 : i32
          %swap3A_255 = arith.index_cast %rem3A_51 : i32 to index
          %swap3A_256 = arith.index_cast %scan3A_72 : i32 to index
          %swap3A_257 = arith.index_cast %add3A_254 : i32 to index
          %swap3A_258 = tpu.vector_load %arg9[%swap3A_255, %swap3A_256, %swap3A_257] {strides = array<i32>} : memref<2x16x2048xf32, #tpu.memory_space<vmem>>, vector<16xf32>,
          tpu.vector_store %arg9[%swap3A_255, %swap3A_256, %swap3A_257], %select_n3A_250 {strides = array<i32>} : memref<2x16x2048xf32, #tpu.memory_space<vmem>>, vector<16xf32>,
          %bitcast3A_259 = vector.bitcast %get3A_119 : vector<16xf32> to vector<16xi32>
          %sub3A_260 = arith.subi %bitcast3A_259, %bitcast3A : vector<16xi32>
          %lt3A_261 = arith.constant 0 : i32
          %lt3A_262 = vector.broadcast %lt3A_261 : i32 to vector<16xi32>
          %lt3A_263 = arith.cmpi slt, %sub3A_260, %lt3A_262 : vector<16xi32>
          %jit3A_264 = arith.constant 1.000000e+00 : f32
          %jit3A_265 = arith.constant -1.000000e+00 : f32
          %broadcast_in_dim3A_266 = vector.broadcast %jit3A_264 : f32 to vector<16xf32>
          %broadcast_in_dim3A_267 = vector.broadcast %jit3A_265 : f32 to vector<16xf32>
          %select_n3A_268 = arith.select %lt3A_263, %broadcast_in_dim3A_266, %broadcast_in_dim3A_267 : vector<16xi1>, vector<16xf32>
          %mul3A_269 = arith.constant 256 : i32
          %mul3A_270 = arith.muli %scan3A_90, %mul3A_269 : i32
          %add3A_271 = arith.constant 96 : i32
          %add3A_272 = arith.addi %mul3A_270, %add3A_271 : i32
          %swap3A_273 = arith.index_cast %rem3A_51 : i32 to index
          %swap3A_274 = arith.index_cast %scan3A_72 : i32 to index
          %swap3A_275 = arith.index_cast %add3A_272 : i32 to index
          %swap3A_276 = tpu.vector_load %arg9[%swap3A_273, %swap3A_274, %swap3A_275] {strides = array<i32>} : memref<2x16x2048xf32, #tpu.memory_space<vmem>>, vector<16xf32>,
          tpu.vector_store %arg9[%swap3A_273, %swap3A_274, %swap3A_275], %select_n3A_268 {strides = array<i32>} : memref<2x16x2048xf32, #tpu.memory_space<vmem>>, vector<16xf32>,
          %bitcast3A_277 = vector.bitcast %get3A_123 : vector<16xf32> to vector<16xi32>
          %sub3A_278 = arith.subi %bitcast3A_277, %bitcast3A : vector<16xi32>
          %lt3A_279 = arith.constant 0 : i32
          %lt3A_280 = vector.broadcast %lt3A_279 : i32 to vector<16xi32>
          %lt3A_281 = arith.cmpi slt, %sub3A_278, %lt3A_280 : vector<16xi32>
          %jit3A_282 = arith.constant 1.000000e+00 : f32
          %jit3A_283 = arith.constant -1.000000e+00 : f32
          %broadcast_in_dim3A_284 = vector.broadcast %jit3A_282 : f32 to vector<16xf32>
          %broadcast_in_dim3A_285 = vector.broadcast %jit3A_283 : f32 to vector<16xf32>
          %select_n3A_286 = arith.select %lt3A_281, %broadcast_in_dim3A_284, %broadcast_in_dim3A_285 : vector<16xi1>, vector<16xf32>
          %mul3A_287 = arith.constant 256 : i32
          %mul3A_288 = arith.muli %scan3A_90, %mul3A_287 : i32
          %add3A_289 = arith.constant 112 : i32
          %add3A_290 = arith.addi %mul3A_288, %add3A_289 : i32
          %swap3A_291 = arith.index_cast %rem3A_51 : i32 to index
          %swap3A_292 = arith.index_cast %scan3A_72 : i32 to index
          %swap3A_293 = arith.index_cast %add3A_290 : i32 to index
          %swap3A_294 = tpu.vector_load %arg9[%swap3A_291, %swap3A_292, %swap3A_293] {strides = array<i32>} : memref<2x16x2048xf32, #tpu.memory_space<vmem>>, vector<16xf32>,
          tpu.vector_store %arg9[%swap3A_291, %swap3A_292, %swap3A_293], %select_n3A_286 {strides = array<i32>} : memref<2x16x2048xf32, #tpu.memory_space<vmem>>, vector<16xf32>,
          %bitcast3A_295 = vector.bitcast %get3A_127 : vector<16xf32> to vector<16xi32>
          %sub3A_296 = arith.subi %bitcast3A_295, %bitcast3A : vector<16xi32>
          %lt3A_297 = arith.constant 0 : i32
          %lt3A_298 = vector.broadcast %lt3A_297 : i32 to vector<16xi32>
          %lt3A_299 = arith.cmpi slt, %sub3A_296, %lt3A_298 : vector<16xi32>
          %jit3A_300 = arith.constant 1.000000e+00 : f32
          %jit3A_301 = arith.constant -1.000000e+00 : f32
          %broadcast_in_dim3A_302 = vector.broadcast %jit3A_300 : f32 to vector<16xf32>
          %broadcast_in_dim3A_303 = vector.broadcast %jit3A_301 : f32 to vector<16xf32>
          %select_n3A_304 = arith.select %lt3A_299, %broadcast_in_dim3A_302, %broadcast_in_dim3A_303 : vector<16xi1>, vector<16xf32>
          %mul3A_305 = arith.constant 256 : i32
          %mul3A_306 = arith.muli %scan3A_90, %mul3A_305 : i32
          %add3A_307 = arith.constant 128 : i32
          %add3A_308 = arith.addi %mul3A_306, %add3A_307 : i32
          %swap3A_309 = arith.index_cast %rem3A_51 : i32 to index
          %swap3A_310 = arith.index_cast %scan3A_72 : i32 to index
          %swap3A_311 = arith.index_cast %add3A_308 : i32 to index
          %swap3A_312 = tpu.vector_load %arg9[%swap3A_309, %swap3A_310, %swap3A_311] {strides = array<i32>} : memref<2x16x2048xf32, #tpu.memory_space<vmem>>, vector<16xf32>,
          tpu.vector_store %arg9[%swap3A_309, %swap3A_310, %swap3A_311], %select_n3A_304 {strides = array<i32>} : memref<2x16x2048xf32, #tpu.memory_space<vmem>>, vector<16xf32>,
          %bitcast3A_313 = vector.bitcast %get3A_131 : vector<16xf32> to vector<16xi32>
          %sub3A_314 = arith.subi %bitcast3A_313, %bitcast3A : vector<16xi32>
          %lt3A_315 = arith.constant 0 : i32
          %lt3A_316 = vector.broadcast %lt3A_315 : i32 to vector<16xi32>
          %lt3A_317 = arith.cmpi slt, %sub3A_314, %lt3A_316 : vector<16xi32>
          %jit3A_318 = arith.constant 1.000000e+00 : f32
          %jit3A_319 = arith.constant -1.000000e+00 : f32
          %broadcast_in_dim3A_320 = vector.broadcast %jit3A_318 : f32 to vector<16xf32>
          %broadcast_in_dim3A_321 = vector.broadcast %jit3A_319 : f32 to vector<16xf32>
          %select_n3A_322 = arith.select %lt3A_317, %broadcast_in_dim3A_320, %broadcast_in_dim3A_321 : vector<16xi1>, vector<16xf32>
          %mul3A_323 = arith.constant 256 : i32
          %mul3A_324 = arith.muli %scan3A_90, %mul3A_323 : i32
          %add3A_325 = arith.constant 144 : i32
          %add3A_326 = arith.addi %mul3A_324, %add3A_325 : i32
          %swap3A_327 = arith.index_cast %rem3A_51 : i32 to index
          %swap3A_328 = arith.index_cast %scan3A_72 : i32 to index
          %swap3A_329 = arith.index_cast %add3A_326 : i32 to index
          %swap3A_330 = tpu.vector_load %arg9[%swap3A_327, %swap3A_328, %swap3A_329] {strides = array<i32>} : memref<2x16x2048xf32, #tpu.memory_space<vmem>>, vector<16xf32>,
          tpu.vector_store %arg9[%swap3A_327, %swap3A_328, %swap3A_329], %select_n3A_322 {strides = array<i32>} : memref<2x16x2048xf32, #tpu.memory_space<vmem>>, vector<16xf32>,
          %bitcast3A_331 = vector.bitcast %get3A_135 : vector<16xf32> to vector<16xi32>
          %sub3A_332 = arith.subi %bitcast3A_331, %bitcast3A : vector<16xi32>
          %lt3A_333 = arith.constant 0 : i32
          %lt3A_334 = vector.broadcast %lt3A_333 : i32 to vector<16xi32>
          %lt3A_335 = arith.cmpi slt, %sub3A_332, %lt3A_334 : vector<16xi32>
          %jit3A_336 = arith.constant 1.000000e+00 : f32
          %jit3A_337 = arith.constant -1.000000e+00 : f32
          %broadcast_in_dim3A_338 = vector.broadcast %jit3A_336 : f32 to vector<16xf32>
          %broadcast_in_dim3A_339 = vector.broadcast %jit3A_337 : f32 to vector<16xf32>
          %select_n3A_340 = arith.select %lt3A_335, %broadcast_in_dim3A_338, %broadcast_in_dim3A_339 : vector<16xi1>, vector<16xf32>
          %mul3A_341 = arith.constant 256 : i32
          %mul3A_342 = arith.muli %scan3A_90, %mul3A_341 : i32
          %add3A_343 = arith.constant 160 : i32
          %add3A_344 = arith.addi %mul3A_342, %add3A_343 : i32
          %swap3A_345 = arith.index_cast %rem3A_51 : i32 to index
          %swap3A_346 = arith.index_cast %scan3A_72 : i32 to index
          %swap3A_347 = arith.index_cast %add3A_344 : i32 to index
          %swap3A_348 = tpu.vector_load %arg9[%swap3A_345, %swap3A_346, %swap3A_347] {strides = array<i32>} : memref<2x16x2048xf32, #tpu.memory_space<vmem>>, vector<16xf32>,
          tpu.vector_store %arg9[%swap3A_345, %swap3A_346, %swap3A_347], %select_n3A_340 {strides = array<i32>} : memref<2x16x2048xf32, #tpu.memory_space<vmem>>, vector<16xf32>,
          %bitcast3A_349 = vector.bitcast %get3A_139 : vector<16xf32> to vector<16xi32>
          %sub3A_350 = arith.subi %bitcast3A_349, %bitcast3A : vector<16xi32>
          %lt3A_351 = arith.constant 0 : i32
          %lt3A_352 = vector.broadcast %lt3A_351 : i32 to vector<16xi32>
          %lt3A_353 = arith.cmpi slt, %sub3A_350, %lt3A_352 : vector<16xi32>
          %jit3A_354 = arith.constant 1.000000e+00 : f32
          %jit3A_355 = arith.constant -1.000000e+00 : f32
          %broadcast_in_dim3A_356 = vector.broadcast %jit3A_354 : f32 to vector<16xf32>
          %broadcast_in_dim3A_357 = vector.broadcast %jit3A_355 : f32 to vector<16xf32>
          %select_n3A_358 = arith.select %lt3A_353, %broadcast_in_dim3A_356, %broadcast_in_dim3A_357 : vector<16xi1>, vector<16xf32>
          %mul3A_359 = arith.constant 256 : i32
          %mul3A_360 = arith.muli %scan3A_90, %mul3A_359 : i32
          %add3A_361 = arith.constant 176 : i32
          %add3A_362 = arith.addi %mul3A_360, %add3A_361 : i32
          %swap3A_363 = arith.index_cast %rem3A_51 : i32 to index
          %swap3A_364 = arith.index_cast %scan3A_72 : i32 to index
          %swap3A_365 = arith.index_cast %add3A_362 : i32 to index
          %swap3A_366 = tpu.vector_load %arg9[%swap3A_363, %swap3A_364, %swap3A_365] {strides = array<i32>} : memref<2x16x2048xf32, #tpu.memory_space<vmem>>, vector<16xf32>,
          tpu.vector_store %arg9[%swap3A_363, %swap3A_364, %swap3A_365], %select_n3A_358 {strides = array<i32>} : memref<2x16x2048xf32, #tpu.memory_space<vmem>>, vector<16xf32>,
          %bitcast3A_367 = vector.bitcast %get3A_143 : vector<16xf32> to vector<16xi32>
          %sub3A_368 = arith.subi %bitcast3A_367, %bitcast3A : vector<16xi32>
          %lt3A_369 = arith.constant 0 : i32
          %lt3A_370 = vector.broadcast %lt3A_369 : i32 to vector<16xi32>
          %lt3A_371 = arith.cmpi slt, %sub3A_368, %lt3A_370 : vector<16xi32>
          %jit3A_372 = arith.constant 1.000000e+00 : f32
          %jit3A_373 = arith.constant -1.000000e+00 : f32
          %broadcast_in_dim3A_374 = vector.broadcast %jit3A_372 : f32 to vector<16xf32>
          %broadcast_in_dim3A_375 = vector.broadcast %jit3A_373 : f32 to vector<16xf32>
          %select_n3A_376 = arith.select %lt3A_371, %broadcast_in_dim3A_374, %broadcast_in_dim3A_375 : vector<16xi1>, vector<16xf32>
          %mul3A_377 = arith.constant 256 : i32
          %mul3A_378 = arith.muli %scan3A_90, %mul3A_377 : i32
          %add3A_379 = arith.constant 192 : i32
          %add3A_380 = arith.addi %mul3A_378, %add3A_379 : i32
          %swap3A_381 = arith.index_cast %rem3A_51 : i32 to index
          %swap3A_382 = arith.index_cast %scan3A_72 : i32 to index
          %swap3A_383 = arith.index_cast %add3A_380 : i32 to index
          %swap3A_384 = tpu.vector_load %arg9[%swap3A_381, %swap3A_382, %swap3A_383] {strides = array<i32>} : memref<2x16x2048xf32, #tpu.memory_space<vmem>>, vector<16xf32>,
          tpu.vector_store %arg9[%swap3A_381, %swap3A_382, %swap3A_383], %select_n3A_376 {strides = array<i32>} : memref<2x16x2048xf32, #tpu.memory_space<vmem>>, vector<16xf32>,
          %bitcast3A_385 = vector.bitcast %get3A_147 : vector<16xf32> to vector<16xi32>
          %sub3A_386 = arith.subi %bitcast3A_385, %bitcast3A : vector<16xi32>
          %lt3A_387 = arith.constant 0 : i32
          %lt3A_388 = vector.broadcast %lt3A_387 : i32 to vector<16xi32>
          %lt3A_389 = arith.cmpi slt, %sub3A_386, %lt3A_388 : vector<16xi32>
          %jit3A_390 = arith.constant 1.000000e+00 : f32
          %jit3A_391 = arith.constant -1.000000e+00 : f32
          %broadcast_in_dim3A_392 = vector.broadcast %jit3A_390 : f32 to vector<16xf32>
          %broadcast_in_dim3A_393 = vector.broadcast %jit3A_391 : f32 to vector<16xf32>
          %select_n3A_394 = arith.select %lt3A_389, %broadcast_in_dim3A_392, %broadcast_in_dim3A_393 : vector<16xi1>, vector<16xf32>
          %mul3A_395 = arith.constant 256 : i32
          %mul3A_396 = arith.muli %scan3A_90, %mul3A_395 : i32
          %add3A_397 = arith.constant 208 : i32
          %add3A_398 = arith.addi %mul3A_396, %add3A_397 : i32
          %swap3A_399 = arith.index_cast %rem3A_51 : i32 to index
          %swap3A_400 = arith.index_cast %scan3A_72 : i32 to index
          %swap3A_401 = arith.index_cast %add3A_398 : i32 to index
          %swap3A_402 = tpu.vector_load %arg9[%swap3A_399, %swap3A_400, %swap3A_401] {strides = array<i32>} : memref<2x16x2048xf32, #tpu.memory_space<vmem>>, vector<16xf32>,
          tpu.vector_store %arg9[%swap3A_399, %swap3A_400, %swap3A_401], %select_n3A_394 {strides = array<i32>} : memref<2x16x2048xf32, #tpu.memory_space<vmem>>, vector<16xf32>,
          %bitcast3A_403 = vector.bitcast %get3A_151 : vector<16xf32> to vector<16xi32>
          %sub3A_404 = arith.subi %bitcast3A_403, %bitcast3A : vector<16xi32>
          %lt3A_405 = arith.constant 0 : i32
          %lt3A_406 = vector.broadcast %lt3A_405 : i32 to vector<16xi32>
          %lt3A_407 = arith.cmpi slt, %sub3A_404, %lt3A_406 : vector<16xi32>
          %jit3A_408 = arith.constant 1.000000e+00 : f32
          %jit3A_409 = arith.constant -1.000000e+00 : f32
          %broadcast_in_dim3A_410 = vector.broadcast %jit3A_408 : f32 to vector<16xf32>
          %broadcast_in_dim3A_411 = vector.broadcast %jit3A_409 : f32 to vector<16xf32>
          %select_n3A_412 = arith.select %lt3A_407, %broadcast_in_dim3A_410, %broadcast_in_dim3A_411 : vector<16xi1>, vector<16xf32>
          %mul3A_413 = arith.constant 256 : i32
          %mul3A_414 = arith.muli %scan3A_90, %mul3A_413 : i32
          %add3A_415 = arith.constant 224 : i32
          %add3A_416 = arith.addi %mul3A_414, %add3A_415 : i32
          %swap3A_417 = arith.index_cast %rem3A_51 : i32 to index
          %swap3A_418 = arith.index_cast %scan3A_72 : i32 to index
          %swap3A_419 = arith.index_cast %add3A_416 : i32 to index
          %swap3A_420 = tpu.vector_load %arg9[%swap3A_417, %swap3A_418, %swap3A_419] {strides = array<i32>} : memref<2x16x2048xf32, #tpu.memory_space<vmem>>, vector<16xf32>,
          tpu.vector_store %arg9[%swap3A_417, %swap3A_418, %swap3A_419], %select_n3A_412 {strides = array<i32>} : memref<2x16x2048xf32, #tpu.memory_space<vmem>>, vector<16xf32>,
          %bitcast3A_421 = vector.bitcast %get3A_155 : vector<16xf32> to vector<16xi32>
          %sub3A_422 = arith.subi %bitcast3A_421, %bitcast3A : vector<16xi32>
          %lt3A_423 = arith.constant 0 : i32
          %lt3A_424 = vector.broadcast %lt3A_423 : i32 to vector<16xi32>
          %lt3A_425 = arith.cmpi slt, %sub3A_422, %lt3A_424 : vector<16xi32>
          %jit3A_426 = arith.constant 1.000000e+00 : f32
          %jit3A_427 = arith.constant -1.000000e+00 : f32
          %broadcast_in_dim3A_428 = vector.broadcast %jit3A_426 : f32 to vector<16xf32>
          %broadcast_in_dim3A_429 = vector.broadcast %jit3A_427 : f32 to vector<16xf32>
          %select_n3A_430 = arith.select %lt3A_425, %broadcast_in_dim3A_428, %broadcast_in_dim3A_429 : vector<16xi1>, vector<16xf32>
          %mul3A_431 = arith.constant 256 : i32
          %mul3A_432 = arith.muli %scan3A_90, %mul3A_431 : i32
          %add3A_433 = arith.constant 240 : i32
          %add3A_434 = arith.addi %mul3A_432, %add3A_433 : i32
          %swap3A_435 = arith.index_cast %rem3A_51 : i32 to index
          %swap3A_436 = arith.index_cast %scan3A_72 : i32 to index
          %swap3A_437 = arith.index_cast %add3A_434 : i32 to index
          %swap3A_438 = tpu.vector_load %arg9[%swap3A_435, %swap3A_436, %swap3A_437] {strides = array<i32>} : memref<2x16x2048xf32, #tpu.memory_space<vmem>>, vector<16xf32>,
          tpu.vector_store %arg9[%swap3A_435, %swap3A_436, %swap3A_437], %select_n3A_430 {strides = array<i32>} : memref<2x16x2048xf32, #tpu.memory_space<vmem>>, vector<16xf32>,
          %add3A_439 = arith.constant 256 : i32
          %add3A_440 = arith.addi %scan3A_91, %add3A_439 : i32
          scf.yield %add3A_440 : i32
        }
        %scan3A_89 = arith.constant 8 : i32
      }
      %scan3A_59 = arith.constant 16 : i32
      %mul3A_60 = arith.constant 16 : i32
      %mul3A_61 = arith.muli %rem3A_49, %mul3A_60 : i32
      %add3A_62 = arith.addi %mul3A_2, %mul3A_61 : i32
      %eq3A = arith.constant 0 : i32
      %eq3A_63 = arith.cmpi eq, %rem3A_51, %eq3A : i32
      %convert_element_type3A_64 = arith.extui %eq3A_63 : i1 to i32
      %cond3A_65 = arith.constant 0 : i32
      %cond3A_66 = arith.cmpi ne, %convert_element_type3A_64, %cond3A_65 : i32
      scf.if %cond3A_66 {
        %dma_start3A = arith.constant 0 : i32
        %dma_start3A_72 = arith.constant 0 : i32
        %dma_start3A_73 = arith.constant 0 : i32
        %dma_start3A_74 = tpu.memref_slice %arg9[%dma_start3A, %dma_start3A_72, %dma_start3A_73] : memref<2x16x2048xf32, #tpu.memory_space<vmem>> -> memref<1x16x2048xf32, #tpu.memory_space<vmem>>
        %dma_start3A_75 = tpu.memref_squeeze %dma_start3A_74 : memref<1x16x2048xf32, #tpu.memory_space<vmem>> -> memref<16x2048xf32, #tpu.memory_space<vmem>>
        %dma_start3A_76 = arith.constant 0 : i32
        %dma_start3A_77 = tpu.memref_slice %arg4[%div3A_48, %add3A_62, %dma_start3A_76] : memref<20x1024x2048xf32, #tpu.memory_space<hbm>> -> memref<1x16x2048xf32, #tpu.memory_space<hbm>>
        %dma_start3A_78 = tpu.memref_squeeze %dma_start3A_77 : memref<1x16x2048xf32, #tpu.memory_space<hbm>> -> memref<16x2048xf32, #tpu.memory_space<hbm>>
        %dma_start3A_79 = arith.constant 0 : i32
        %dma_start3A_80 = tpu.memref_slice %arg4[%div3A_48, %add3A_62, %dma_start3A_79] : memref<20x1024x2048xf32, #tpu.memory_space<hbm>> -> memref<1x16x2048xf32, #tpu.memory_space<hbm>>
        %dma_start3A_81 = tpu.memref_squeeze %dma_start3A_80 : memref<1x16x2048xf32, #tpu.memory_space<hbm>> -> memref<16x2048xf32, #tpu.memory_space<hbm>>
        %dma_start3A_82 = arith.constant 0 : i32
        %dma_start3A_83 = arith.constant 0 : i32
        %dma_start3A_84 = tpu.memref_slice %arg9[%dma_start3A, %dma_start3A_82, %dma_start3A_83] : memref<2x16x2048xf32, #tpu.memory_space<vmem>> -> memref<1x16x2048xf32, #tpu.memory_space<vmem>>
        %dma_start3A_85 = tpu.memref_squeeze %dma_start3A_84 : memref<1x16x2048xf32, #tpu.memory_space<vmem>> -> memref<16x2048xf32, #tpu.memory_space<vmem>>
        tpu.enqueue_dma source(%dma_start3A_85 : memref<16x2048xf32, #tpu.memory_space<vmem>>) target(%dma_start3A_81 : memref<16x2048xf32, #tpu.memory_space<hbm>>) target_semaphore(%arg10 : memref<!tpu.dma_semaphore, #tpu.memory_space<semaphore_mem>>)
      } else {
      }
      %eq3A_67 = arith.constant 1 : i32
      %eq3A_68 = arith.cmpi eq, %rem3A_51, %eq3A_67 : i32
      %convert_element_type3A_69 = arith.extui %eq3A_68 : i1 to i32
      %cond3A_70 = arith.constant 0 : i32
      %cond3A_71 = arith.cmpi ne, %convert_element_type3A_69, %cond3A_70 : i32
      scf.if %cond3A_71 {
        %dma_start3A = arith.constant 1 : i32
        %dma_start3A_72 = arith.constant 0 : i32
        %dma_start3A_73 = arith.constant 0 : i32
        %dma_start3A_74 = tpu.memref_slice %arg9[%dma_start3A, %dma_start3A_72, %dma_start3A_73] : memref<2x16x2048xf32, #tpu.memory_space<vmem>> -> memref<1x16x2048xf32, #tpu.memory_space<vmem>>
        %dma_start3A_75 = tpu.memref_squeeze %dma_start3A_74 : memref<1x16x2048xf32, #tpu.memory_space<vmem>> -> memref<16x2048xf32, #tpu.memory_space<vmem>>
        %dma_start3A_76 = arith.constant 0 : i32
        %dma_start3A_77 = tpu.memref_slice %arg4[%div3A_48, %add3A_62, %dma_start3A_76] : memref<20x1024x2048xf32, #tpu.memory_space<hbm>> -> memref<1x16x2048xf32, #tpu.memory_space<hbm>>
        %dma_start3A_78 = tpu.memref_squeeze %dma_start3A_77 : memref<1x16x2048xf32, #tpu.memory_space<hbm>> -> memref<16x2048xf32, #tpu.memory_space<hbm>>
        %dma_start3A_79 = arith.constant 0 : i32
        %dma_start3A_80 = tpu.memref_slice %arg4[%div3A_48, %add3A_62, %dma_start3A_79] : memref<20x1024x2048xf32, #tpu.memory_space<hbm>> -> memref<1x16x2048xf32, #tpu.memory_space<hbm>>
        %dma_start3A_81 = tpu.memref_squeeze %dma_start3A_80 : memref<1x16x2048xf32, #tpu.memory_space<hbm>> -> memref<16x2048xf32, #tpu.memory_space<hbm>>
        %dma_start3A_82 = arith.constant 0 : i32
        %dma_start3A_83 = arith.constant 0 : i32
        %dma_start3A_84 = tpu.memref_slice %arg9[%dma_start3A, %dma_start3A_82, %dma_start3A_83] : memref<2x16x2048xf32, #tpu.memory_space<vmem>> -> memref<1x16x2048xf32, #tpu.memory_space<vmem>>
        %dma_start3A_85 = tpu.memref_squeeze %dma_start3A_84 : memref<1x16x2048xf32, #tpu.memory_space<vmem>> -> memref<16x2048xf32, #tpu.memory_space<vmem>>
        tpu.enqueue_dma source(%dma_start3A_85 : memref<16x2048xf32, #tpu.memory_space<vmem>>) target(%dma_start3A_81 : memref<16x2048xf32, #tpu.memory_space<hbm>>) target_semaphore(%arg11 : memref<!tpu.dma_semaphore, #tpu.memory_space<semaphore_mem>>)
      } else {
      }
    }
    %scan3A_15 = arith.constant 40 : i32
    %dma_wait3A = arith.constant 0 : i32
    %dma_wait3A_16 = arith.constant 0 : i32
    %dma_wait3A_17 = arith.constant 0 : i32
    %dma_wait3A_18 = arith.constant 0 : i32
    %dma_wait3A_19 = tpu.memref_slice %arg9[%dma_wait3A, %dma_wait3A_17, %dma_wait3A_18] : memref<2x16x2048xf32, #tpu.memory_space<vmem>> -> memref<1x16x2048xf32, #tpu.memory_space<vmem>>
    %dma_wait3A_20 = tpu.memref_squeeze %dma_wait3A_19 : memref<1x16x2048xf32, #tpu.memory_space<vmem>> -> memref<16x2048xf32, #tpu.memory_space<vmem>>
    %dma_wait3A_21 = arith.constant 0 : i32
    %dma_wait3A_22 = tpu.memref_slice %arg4[%dma_wait3A_16, %mul3A_2, %dma_wait3A_21] : memref<20x1024x2048xf32, #tpu.memory_space<hbm>> -> memref<1x16x2048xf32, #tpu.memory_space<hbm>>
    %dma_wait3A_23 = tpu.memref_squeeze %dma_wait3A_22 : memref<1x16x2048xf32, #tpu.memory_space<hbm>> -> memref<16x2048xf32, #tpu.memory_space<hbm>>
    %dma_wait3A_24 = arith.constant 0 : i32
    %dma_wait3A_25 = tpu.memref_slice %arg4[%dma_wait3A_16, %mul3A_2, %dma_wait3A_24] : memref<20x1024x2048xf32, #tpu.memory_space<hbm>> -> memref<1x16x2048xf32, #tpu.memory_space<hbm>>
    %dma_wait3A_26 = tpu.memref_squeeze %dma_wait3A_25 : memref<1x16x2048xf32, #tpu.memory_space<hbm>> -> memref<16x2048xf32, #tpu.memory_space<hbm>>
    %dma_wait3A_27 = arith.constant 0 : i32
    %dma_wait3A_28 = arith.constant 0 : i32
    %dma_wait3A_29 = tpu.memref_slice %arg9[%dma_wait3A, %dma_wait3A_27, %dma_wait3A_28] : memref<2x16x2048xf32, #tpu.memory_space<vmem>> -> memref<1x16x2048xf32, #tpu.memory_space<vmem>>
    %dma_wait3A_30 = tpu.memref_squeeze %dma_wait3A_29 : memref<1x16x2048xf32, #tpu.memory_space<vmem>> -> memref<16x2048xf32, #tpu.memory_space<vmem>>
    tpu.wait_dma2 semaphore(%arg10 : memref<!tpu.dma_semaphore, #tpu.memory_space<semaphore_mem>>) src(%dma_wait3A_30 : memref<16x2048xf32, #tpu.memory_space<vmem>>) dst(%dma_wait3A_26 : memref<16x2048xf32, #tpu.memory_space<hbm>>)
    %dma_wait3A_31 = arith.constant 1 : i32
    %dma_wait3A_32 = arith.constant 0 : i32
    %dma_wait3A_33 = arith.constant 0 : i32
    %dma_wait3A_34 = arith.constant 0 : i32
    %dma_wait3A_35 = tpu.memref_slice %arg9[%dma_wait3A_31, %dma_wait3A_33, %dma_wait3A_34] : memref<2x16x2048xf32, #tpu.memory_space<vmem>> -> memref<1x16x2048xf32, #tpu.memory_space<vmem>>
    %dma_wait3A_36 = tpu.memref_squeeze %dma_wait3A_35 : memref<1x16x2048xf32, #tpu.memory_space<vmem>> -> memref<16x2048xf32, #tpu.memory_space<vmem>>
    %dma_wait3A_37 = arith.constant 0 : i32
    %dma_wait3A_38 = tpu.memref_slice %arg4[%dma_wait3A_32, %mul3A_2, %dma_wait3A_37] : memref<20x1024x2048xf32, #tpu.memory_space<hbm>> -> memref<1x16x2048xf32, #tpu.memory_space<hbm>>
    %dma_wait3A_39 = tpu.memref_squeeze %dma_wait3A_38 : memref<1x16x2048xf32, #tpu.memory_space<hbm>> -> memref<16x2048xf32, #tpu.memory_space<hbm>>
    %dma_wait3A_40 = arith.constant 0 : i32
    %dma_wait3A_41 = tpu.memref_slice %arg4[%dma_wait3A_32, %mul3A_2, %dma_wait3A_40] : memref<20x1024x2048xf32, #tpu.memory_space<hbm>> -> memref<1x16x2048xf32, #tpu.memory_space<hbm>>
    %dma_wait3A_42 = tpu.memref_squeeze %dma_wait3A_41 : memref<1x16x2048xf32, #tpu.memory_space<hbm>> -> memref<16x2048xf32, #tpu.memory_space<hbm>>
    %dma_wait3A_43 = arith.constant 0 : i32
    %dma_wait3A_44 = arith.constant 0 : i32
    %dma_wait3A_45 = tpu.memref_slice %arg9[%dma_wait3A_31, %dma_wait3A_43, %dma_wait3A_44] : memref<2x16x2048xf32, #tpu.memory_space<vmem>> -> memref<1x16x2048xf32, #tpu.memory_space<vmem>>
    %dma_wait3A_46 = tpu.memref_squeeze %dma_wait3A_45 : memref<1x16x2048xf32, #tpu.memory_space<vmem>> -> memref<16x2048xf32, #tpu.memory_space<vmem>>
    tpu.wait_dma2 semaphore(%arg11 : memref<!tpu.dma_semaphore, #tpu.memory_space<semaphore_mem>>) src(%dma_wait3A_46 : memref<16x2048xf32, #tpu.memory_space<vmem>>) dst(%dma_wait3A_42 : memref<16x2048xf32, #tpu.memory_space<hbm>>)
    return
  }
}

</mosaic_0001>

<sc_bundles>
// kernel: _run.3.cloned.1.call-start
scs
__scs_entry_jumppad:
0x0: {  	(pc) =	sbr.rel $0x88, $3  }
0x1: {  	(tag) =	ssettag $0x0;
	lr =	simm.s32 $0x1  }
0x2: {  	[smem:$0x3F9F] =	sst lr;
	_ =	strace $0xD0000000  }
0x3: {  	_ = 	snop  }
0x4: {  	_ = 	snop  }
0x5: {  	_ = 	snop  }
0x6: {  	_ = 	snop  }
0x7: {  	_ = 	snop  }
__scs_overlays_trampoline_lowered:
0x8: {  	[smem:$0x3FAE] =	sst s0  }
0x9: {  	[smem:$0x3FAF] =	sst s1  }
0xa: {  	[smem:$0x3FB0] =	sst s2  }
0xb: {  	[smem:$0x3FB1] =	sst s3  }
0xc: {  	[smem:$0x3FB2] =	sst s4  }
0xd: {  	[smem:$0x3FB3] =	sst s5  }
0xe: {  	[smem:$0x3FB4] =	sst s6  }
0xf: {  	[smem:$0x3FB5] =	sst s7  }
0x10: {  	[smem:$0x3FB6] =	sst s8  }
0x11: {  	[smem:$0x3FB7] =	sst s9;
	s0 =	simm.s32 @!p0 $0x0  }
0x12: {  	s1 =	sld [smem:$0x3F9D];
	s0 =	simm.s32 @p0 $0x1  }
0x13: {  	[smem:$0x3FB8] =	sst s0;
	s0 =	simm.s32 @!p1 $0x0  }
0x14: {  	s2 =	sld [smem:$0x3F9C];
	s0 =	simm.s32 @p1 $0x1  }
0x15: {  	[smem:$0x3FB9] =	sst s0;
	s0 =	simm.s32 @!p2 $0x0  }
0x16: {  	s3 =	sld [smem:$0x3FDB];
	s0 =	simm.s32 @p2 $0x1  }
0x17: {  	s4 =	simm.s32 $0x1BF5;
	[smem:$0x3FBB] =	sst s0  }
0x18: {  	s0 =	sld [smem:$0x3F9E];
	_ =	swait.ge [sflag:s4], $0x0  }
0x19: {  	s7 =	sld [smem:$0x3F9F]  }
0x1a: {  	s8 =	sadd.s32 $0xFFFFE003, lr  }
0x1b: {  	s9 =	sadd.s32 $0xFFFFFEF7, lr;
	s5 =	simm.s32 $0xFFFFFFFF;
	p2 =	slt.u32 s8, $0xFFFFF086  }
0x1c: {  	p1 =	slt.u32 s9, $0xF7A;
	s5 =	simm.s32 @!p2 $0x0  }
0x1d: {  	s5 =	simm.s32 @p1 $0x1;
	p0 =	seq.s32 s7, s2  }
0x1e: {  	s7 =	smul.u32 @!p0 $0xF7A, s2;
	p2 =	seq.s32 @!p0 s5, $0x0  }
0x1f: {  	s9 =	smul.u32 $0xF7A, s1;
	s8 =	simm.s32 @!p0 $0x1BF5;
	p2 =	por !p2, p0  }
0x20: {  	[sflag:s8] =	ssyncset.s32 @!p0 $0xFFFFF086;
	s6 =	sadd.s32 @!p0 s3, s7;
	s7 =	simm.s32 @!p0 $0x108  }
0x21: {  	s3 =	sadd.s32 s3, s9;
	s6 =	sadd.s32 @!p0 $0x88, s6;
	s7 =	simm.s32 @p2 $0x1082  }
0x22: {  	[simem:s7], [sflag:s8] =	dma.local @!p0 [hbm:s6], $0xF7A  }
0x23: {  	s9 =	sor.u32 $0xD0000000, s2;
	s6 =	simm.s32 $0x108;
	_ =	swait.ge @!p0 [sflag:s8], $0x0  }
0x24: {  	s3 =	sadd.s32 $0x88, s3;
	s6 =	simm.s32 @!p1 $0x1082;
	[sflag:s4] =	ssyncset.s32 $0xFFFFF086  }
0x25: {  	[simem:s6], [sflag:s4] =	dma.local [hbm:s3], $0xF7A  }
0x26: {  	[smem:$0x3F9F] =	sst s1;
	(tag) =	ssettag s2;
	_ =	strace s9  }
0x27: {  	s1 =	sld [smem:$0x3FAF]  }
0x28: {  	s2 =	sld [smem:$0x3FB0]  }
0x29: {  	s4 =	sld [smem:$0x3FB2]  }
0x2a: {  	p0 =	seq.s32 s5, $0x0;
	s5 =	sld [smem:$0x3FB3]  }
0x2b: {  	s6 =	sld [smem:$0x3FB4]  }
0x2c: {  	s7 =	sld [smem:$0x3FB5]  }
0x2d: {  	s3 =	simm.s32 $0x108;
	s8 =	sld [smem:$0x3FB6]  }
0x2e: {  	s3 =	simm.s32 @!p0 $0x1082;
	s9 =	sld [smem:$0x3FB7]  }
0x2f: {  	lr =	sadd.s32 s0, s3;
	s0 =	sld [smem:$0x3FAE]  }
0x30: {  	s3 =	sld [smem:$0x3FB1]  }
0x31: {  	[smem:$0x3FBA] =	sst s10  }
0x32: {  	s10 =	sld [smem:$0x3FB8];
	_ =	sdelay $0x3  }
0x33: {  	p0 =	seq.s32 s10, $0x1;
	s10 =	sld [smem:$0x3FBA];
	_ =	sdelay $0x3  }
0x34: {  	[smem:$0x3FBA] =	sst s10  }
0x35: {  	s10 =	sld [smem:$0x3FB9];
	_ =	sdelay $0x3  }
0x36: {  	p1 =	seq.s32 s10, $0x1;
	s10 =	sld [smem:$0x3FBA];
	_ =	sdelay $0x3  }
0x37: {  	[smem:$0x3FBA] =	sst s10  }
0x38: {  	s10 =	sld [smem:$0x3FBB]  }
0x39: {  	_ = 	snop;
	(pc) =	sbr.ind lr, $3  }
0x3a: {  	_ = 	snop  }
0x3b: {  	_ = 	snop  }
0x3c: {  	p2 =	seq.s32 s10, $0x1;
	s10 =	sld [smem:$0x3FBA]  }
0x3d: {  	_ =	shalt  }
0x3e: {  	_ =	shalt  }
0x3f: {  	_ =	shalt  }
0x40: {  	_ =	shalt  }
0x41: {  	_ =	shalt  }
0x42: {  	_ =	shalt  }
0x43: {  	_ =	shalt  }
0x44: {  	_ =	shalt  }
0x45: {  	_ =	shalt  }
0x46: {  	_ =	shalt  }
0x47: {  	_ =	shalt  }
0x48: {  	_ =	shalt  }
0x49: {  	_ =	shalt  }
0x4a: {  	_ =	shalt  }
0x4b: {  	_ =	shalt  }
0x4c: {  	_ =	shalt  }
0x4d: {  	_ =	shalt  }
0x4e: {  	_ =	shalt  }
0x4f: {  	_ =	shalt  }
0x50: {  	_ =	shalt  }
0x51: {  	_ =	shalt  }
0x52: {  	_ =	shalt  }
0x53: {  	_ =	shalt  }
0x54: {  	_ =	shalt  }
0x55: {  	_ =	shalt  }
0x56: {  	_ =	shalt  }
0x57: {  	_ =	shalt  }
0x58: {  	_ =	shalt  }
0x59: {  	_ =	shalt  }
0x5a: {  	_ =	shalt  }
0x5b: {  	_ =	shalt  }
0x5c: {  	_ =	shalt  }
0x5d: {  	_ =	shalt  }
0x5e: {  	_ =	shalt  }
0x5f: {  	_ =	shalt  }
0x60: {  	_ =	shalt  }
0x61: {  	_ =	shalt  }
0x62: {  	_ =	shalt  }
0x63: {  	_ =	shalt  }
0x64: {  	_ =	shalt  }
0x65: {  	_ =	shalt  }
0x66: {  	_ =	shalt  }
0x67: {  	_ =	shalt  }
0x68: {  	_ =	shalt  }
0x69: {  	_ =	shalt  }
0x6a: {  	_ =	shalt  }
0x6b: {  	_ =	shalt  }
0x6c: {  	_ =	shalt  }
0x6d: {  	_ =	shalt  }
0x6e: {  	_ =	shalt  }
0x6f: {  	_ =	shalt  }
0x70: {  	_ =	shalt  }
0x71: {  	_ =	shalt  }
0x72: {  	_ =	shalt  }
0x73: {  	_ =	shalt  }
0x74: {  	_ =	shalt  }
0x75: {  	_ =	shalt  }
0x76: {  	_ =	shalt  }
0x77: {  	_ =	shalt  }
0x78: {  	_ =	shalt  }
0x79: {  	_ =	shalt  }
0x7a: {  	_ =	shalt  }
0x7b: {  	_ =	shalt  }
0x7c: {  	_ =	shalt  }
0x7d: {  	_ =	shalt  }
0x7e: {  	_ =	shalt  }
0x7f: {  	_ =	shalt  }
0x80: {  	_ =	shalt  }
0x81: {  	_ =	shalt  }
0x82: {  	_ =	shalt  }
0x83: {  	_ =	shalt  }
0x84: {  	_ =	shalt  }
0x85: {  	_ =	shalt  }
0x86: {  	_ =	shalt  }
0x87: {  	_ =	shalt  }
.Lfunc_end0:
.L_simem_size_0:
called_computation_lowered:
.L_overlay_start_0:
0x88: {  	s2 =	sld [smem:$0x3FD9]  }
0x89: {  	s3 =	sld [smem:$0x3FFE];
	_ =	sdelay $0x1  }
0x8a: {  	s1 =	srdreg.scid  }
0x8b: {  	s0 =	sand.u32 $0x1, s1  }
0x8c: {  	s18 =	sshll.u32 s0, $0xA;
	s2 =	sadd.s32 s3, s2  }
0x8d: {  	s2 =	sadd.s32 s2, s18  }
0x8e: {  	[smem:$0x3FC6] =	sst s2  }
0x8f: {  	_ = 	snop  }
0x90: {  	s2 =	sld [smem:$0x3FC9]  }
0x91: {  	s19 =	sld [smem:$0x3FC8]  }
0x92: {  	s4 =	sld [smem:$0x3FD0];
	(tm) =	ssettm $0x1  }
0x93: {  	s5 =	sld [smem:$0x3FFB];
	_ =	sdelay $0x3  }
0x94: {  	_ =	strace s5  }
0x95: {  	s5 =	sld [smem:$0x3FFC];
	_ =	sdelay $0x3  }
0x96: {  	_ =	strace s5  }
0x97: {  	s5 =	sld [smem:$0x3FFD];
	_ =	sdelay $0x3  }
0x98: {  	_ =	strace s5  }
0x99: {  	_ =	strace $0x8FFFFFFF  }
0x9a: {  	s20 =	sld [smem:$0x3FDB];
	_ =	sdelay $0x1  }
0x9b: {  	s6 =	simm.s32 $_scs_section_size  }
0x9c: {  	s7 =	simm.s32 $_size__tile_overlayer_lowered;
	s8 =	simm.s32 $_tile_overlayer_lowered  }
0x9d: {  	s23 =	simm.s32 $0x1BFF;
	s22 =	sshll.u32 s8, $0x1;
	s5 =	sadd.s32 s6, s20  }
0x9e: {  	s9 =	simm.s32 $0x0;
	s21 =	sshll.u32 s7, $0x1;
	s7 =	sadd.s32 s22, s5  }
0x9f: {  	[timem:s9], [sflag:s23] =	dma.local [hbm:s7], s21  }
0xa0: {  	_ =	swait.ge [sflag:s23], s21  }
0xa1: {  	s6 =	ssub.s32 $0x0, s21;
	[sflag:s23] =	ssyncset.done $0x0  }
0xa2: {  	[sflag:s23] =	ssyncadd.s32 s6;
	_ =	sdelay $0x1  }
0xa3: {  	s24 =	simm.s32 $0x1B8B  }
0xa4: {  	_ =	swait.ge [sflag:s24], $0x1  }
0xa5: {  	[sflag:s24] =	ssyncset.done $0x0  }
0xa6: {  	s25 =	simm.s32 $0x1B8E;
	[sflag:s24] =	ssyncadd.s32 $0xFFFFFFFF  }
0xa7: {  	s26 =	simm.s32 $execute0_lowered;
	[smem:$0x3FD2] =	sst s25  }
0xa8: {  	s6 =	sshll.u32 s26, $0x1;
	_ =	strace $0x80000046;
	[dreg:$0x1] =	wrdreg $0xFFFFFFFF  }
0xa9: {  	s28 =	simm.s32 $_size_execute0_lowered;
	s5 =	sadd.s32 s5, s6;
	[dreg:$0x0] =	wrdreg $0x0  }
0xaa: {  	s6 =	sshll.u32 s28, $0x1;
	[dreg:$0x2] =	wrdreg s5  }
0xab: {  	[dreg:$0x3] =	wrdreg s6  }
0xac: {  	[dreg:$0x4] =	wrdreg $0xC0  }
0xad: {  	_ =	task [dreg:s9], $0x5FFFF  }
0xae: {  	[dreg:$0x1] =	wrdreg $0xFFFFFFFF  }
0xaf: {  	[dreg:$0x0] =	wrdreg $0x60  }
0xb0: {  	[dreg:$0x2] =	wrdreg s2  }
0xb1: {  	[dreg:$0x3] =	wrdreg s19  }
0xb2: {  	[dreg:$0x4] =	wrdreg s4  }
0xb3: {  	[dreg:$0x5] =	wrdreg $0x9  }
0xb4: {  	_ =	task.clear_ibuf [dreg:s9], $0x6FFFF;
	_ =	strace $0x90000046  }
0xb5: {  	s29 =	simm.s32 $0x9;
	_ =	strace $0x80000048  }
0xb6: {  	_ =	swait.ge [sflag:s29], $0x1  }
0xb7: {  	[sflag:s29] =	ssyncadd.s32 $0xFFFFFFFF  }
0xb8: {  	_ =	strace $0x90000048  }
0xb9: {  	_ =	sfence  }
0xba: {  	s30 =	sld [smem:$0x0];
	_ =	sdelay $0x2  }
0xbb: {  	s31 =	sshll.u32 s1, $0xD;
	s1 =	sshrl.u32 s1, $0x2  }
0xbc: {  	s3 =	sand.u32 $0x4000, s31;
	s1 =	sadd.s32 s1, s30  }
0xbd: {  	s0 =	sor.u32 s3, s0;
	s1 =	sshll.u32 s1, $0x11  }
0xbe: {  	s0 =	sor.u32 s1, s0  }
0xbf: {  	s0 =	sadd.s32 $0x8F2B, s0  }
0xc0: {  	[sflag:s0] =	ssyncadd.remote.s32 $0x1  }
0xc1: {  	_ =	sfence.sel $0xFFFF  }
0xc2: {  	[dreg:$0x0] =	wrdreg $0xFFFFFFFF;
	(pc) =	sbr.abs _section_cstart, $3  }
0xc3: {  	[dreg:$0x1] =	wrdreg $0xFFFFFFFF  }
0xc4: {  	_ =	task.clear_ibuf [dreg:s9], $0x2FFFF;
	_ =	strace $0x9FFFFFFF  }
0xc5: {  	(tm) =	ssettm $0x7FFFFFFF  }
tec
execute0_lowered:
.L_overlay_start_1:
0x0: {  	(tag) =	ssettag $0x1  }
0x1: {  	s5 =	rddreg [dreg:$0x0]  }
0x2: {  	s2 =	rddreg [dreg:$0x1]  }
0x3: {  	s4 =	rddreg [dreg:$0x2]  }
0x4: {  	s0 =	rddreg [dreg:$0x3];
	s6 =	srdreg.scid  }
0x5: {  	s1 =	stileid.u32;
	s3 =	simm.s32 $0x0;
	s10 =	simm.s32 $0x1  }
0x6: {  	s11 =	simm.s32 $0x2;
	s6 =	sand.u32 $0x1, s6;
	s7 =	sshll.u32 s1, $0x1  }
0x7: {  	s12 =	simm.s32 $0x0;
	[smem:$0x7FF] =	sst s3;
	s7 =	sor.u32 s6, s7  }
0x8: {  	s6 =	ssub.s32 $0x2, s6;
	_ =	strace $0x80000047;
	s8 =	sshll.u32 s7, $0xD  }
0x9: {  	s7 =	smul.u32 $0x50, s7;
	s9 =	sshrl.u32 s6, $0x1;
	s4 =	sadd.s32 s4, s8  }
0xa: {  	s31 =	ssub.s32 s6, s9;
	s8 =	simm.s32 $0x280;
	s9 =	simm.s32 $0x3  }
0xb: {  	v0 =	vimm.f32 $-1.000000000e+00;
	s5 =	sadd.s32 s5, s7;
	s6 =	sadd.s32 $0x1000, s4;
	s7 =	smax.u32 s31, $0x1  }
.LBB2_1:
0xc: {  	[tilespmem:s8], [sflag:$0x3] =	stream.linear.gather [hbm4b:s2+s3], $0x7800, $0x38;
	[tilespmem:$0x18080] =	vst v63  }
0xd: {  	_ =	swait.ge [sflag:s9], $0x7800  }
0xe: {  	[sflag:s9] =	ssyncset.done $0x0  }
0xf: {  	[sflag:s9] =	ssyncadd.s32 $0xFFFF8800  }
0x10: {  	[tilespmem:s3], [sflag:$0x3] =	stream.linear.gather [hbm4b:s5+s3], $0x280, $0x38;
	[tilespmem:$0x18080] =	vst v63  }
0x11: {  	_ =	swait.ge [sflag:s9], $0x280  }
0x12: {  	[sflag:s9] =	ssyncset.done $0x0  }
0x13: {  	s14 =	simm.s32 $0x0;
	[sflag:s9] =	ssyncadd.s32 $0xFFFFFD80  }
0x14: {  	v1 =	vld [tilespmem:s14+$0x0];
	_ =	sdelay $0x3  }
0x15: {  	s13 =	simm.s32 $0x10  }
0x16: {  	v2 =	vld [tilespmem:s13+$0x0];
	v1 =	vmul.f32 $1.500000000e+01, v1;
	_ =	sdelay $0x1  }
0x17: {  	v1 =	vmax.f32 v1, $0.0e+00  }
0x18: {  	v4 =	vmin.f32 v1, $1.500000000e+01  }
0x19: {  	v1 =	vtrunc.f32 v4  }
0x1a: {  	v2 =	vmul.f32 $1.500000000e+01, v2;
	v1 =	vcvt.f32.s32 v1;
	_ =	sdelay $0x1  }
0x1b: {  	s15 =	simm.s32 $0x20;
	v2 =	vmax.f32 v2, $0.0e+00;
	vm0 =	vlt.s32 v1, $0xE  }
0x1c: {  	v3 =	vnsel vm0, $0xE, v1;
	v1 =	vmin.f32 v2, $1.500000000e+01;
	v2 =	vld [tilespmem:s15+$0x0];
	_ =	sdelay $0x1  }
0x1d: {  	v5 =	vcvt.s32.f32 v3  }
0x1e: {  	v3 =	vshll.u32 v3, $0xB;
	v6 =	vtrunc.f32 v1  }
0x1f: {  	s16 =	simm.s32 $0xC0;
	[tilespmem:s14+$0x7D80] =	vst v3;
	v3 =	vcvt.f32.s32 v6;
	v4 =	vsub.f32 v4, v5  }
.LBB2_2:
0x20: {  	s17 =	sshra.s32 s16, $0x2;
	p0 =	sne.s32 s16, $0x9C0;
	s16 =	sadd.s32 $0x40, s16;
	v5 =	vmul.f32 $1.500000000e+01, v2  }
.Ltmp0:
0x21: {  	v2 =	vld [tilespmem:s17+$0x0];
	vm0 =	vlt.s32 v3, $0xE;
	[tilespmem:s14+$0x7A80] =	vst v4;
	s14 =	smov.u32 s13;
	s13 =	smov.u32 s15;
	(pc) =	sbr.rel @p0 .LBB2_2-.Ltmp0, $4  }
0x22: {  	s15 =	smov.u32 s17;
	v4 =	vmax.f32 v5, $0.0e+00;
	v3 =	vnsel vm0, $0xE, v3  }
0x23: {  	v5 =	vmin.f32 v4, $1.500000000e+01;
	v4 =	vcvt.s32.f32 v3;
	v3 =	vshll.u32 v3, $0xB  }
0x24: {  	v6 =	vtrunc.f32 v5;
	[tilespmem:s14+$0x7D80] =	vst v3  }
0x25: {  	v3 =	vcvt.f32.s32 v6;
	v4 =	vsub.f32 v1, v4;
	v1 =	vmov v5  }
0x26: {  	v2 =	vmul.f32 $1.500000000e+01, v2;
	_ =	sdelay $0x1  }
0x27: {  	v2 =	vmax.f32 v2, $0.0e+00  }
0x28: {  	v2 =	vmin.f32 v2, $1.500000000e+01  }
0x29: {  	v5 =	vtrunc.f32 v2  }
0x2a: {  	vm0 =	vlt.s32 v3, $0xE;
	v5 =	vcvt.f32.s32 v5  }
0x2b: {  	v3 =	vnsel vm0, $0xE, v3  }
0x2c: {  	v6 =	vcvt.s32.f32 v3;
	vm15 =	vlt.s32 v5, $0xE  }
0x2d: {  	v5 =	vnsel vm15, $0xE, v5  }
0x2e: {  	[tilespmem:s14+$0x7A80] =	vst v4;
	v3 =	vshll.u32 v3, $0xB;
	v1 =	vsub.f32 v1, v6;
	v63 =	vcvt.s32.f32 v5  }
0x2f: {  	[tilespmem:s13+$0x7D80] =	vst v3  }
0x30: {  	[tilespmem:s13+$0x7A80] =	vst v1;
	v1 =	vshll.u32 v5, $0xB;
	v2 =	vsub.f32 v2, v63  }
0x31: {  	[tilespmem:s15+$0x7D80] =	vst v1  }
0x32: {  	p0 =	por $0x0, $0x0;
	s13 =	simm.s32 $0x0;
	[tilespmem:s15+$0x7A80] =	vst v2  }
.LBB2_4:
0x33: {  	p1 =	slt.u32 s13, $0x2  }
0x34: {  	s14 =	sand.u32 @!p1 $0x1, s13  }
0x35: {  	s15 =	sand.u32 $0x1, s13;
	s18 =	simm.s32 $0x0;
	p2 =	seq.s32 @!p1 s14, $0x1  }
0x36: {  	s16 =	simm.s32 @!p1 $0x2;
	s14 =	simm.s32 $0x1;
	p2 =	por !p2, p1  }
0x37: {  	s19 =	simm.s32 $0x0;
	s14 =	simm.s32 @!p0 $0x0;
	s16 =	simm.s32 @p2 $0x1  }
0x38: {  	s20 =	simm.s32 $0x0;
	s17 =	sshll.u32 s14, $0x11;
	_ =	swait.ge @!p1 [sflag:s16], $0x8000  }
0x39: {  	s14 =	sshrl.u32 s13, $0x1;
	s17 =	sshrl.u32 s17, $0x2;
	[sflag:s16] =	ssyncset.done @!p1 $0x0  }
0x3a: {  	v1 =	vmov s14;
	s17 =	sadd.s32 $0x8480, s17;
	[sflag:s16] =	ssyncadd.s32 @!p1 $0xFFFF8000;
	s16 =	sshll.u32 s15, $0x4  }
.LBB2_5:
0x3b: {  	_ = 	snop  }
0x3c: {  	s21 =	sadd.s32 s16, s20  }
0x3d: {  	s22 =	smul.u32 $0x14, s21;
	_ =	sdelay $0x1  }
0x3e: {  	v2 =	vld.idx.msk [tilespmem:v1+s22+$0x7D80 ss:$0x1], $0xffff;
	_ =	sdelay $0x4  }
0x3f: {  	(v2sf) =	vpush v2, $0x0;
	_ =	sdelay $0xe  }
0x40: {  	s21 =	spop (v2sf)  }
0x41: {  	s23 =	sshll.u32 s21, $0x2  }
0x42: {  	s22 =	sadd.s32 s14, s22;
	s23 =	sshra.s32 s23, $0x2  }
0x43: {  	v2 =	vld.msk [tilespmem:s22+$0x7A80 ss:$0x0], $0xffff;
	s24 =	sadd.s32 $0x310, s23  }
0x44: {  	v3 =	vld [tilespmem:s24+$0xFFFFFF70]  }
0x45: {  	v4 =	vld [tilespmem:s24+$0xFFFFFF80]  }
0x46: {  	v5 =	vld [tilespmem:s24+$0xFFFFFF90]  }
0x47: {  	v6 =	vld [tilespmem:s24+$0xFFFFFFA0]  }
0x48: {  	v7 =	vld [tilespmem:s24+$0xFFFFFFB0]  }
0x49: {  	s30 =	sadd.s32 $0x0, s21;
	v8 =	vld [tilespmem:s24+$0xFFFFFFC0]  }
0x4a: {  	s22 =	sand.u32 $0x7F, s21;
	s23 =	sand.u32 $0xFFFFFF80, s30;
	v9 =	vld [tilespmem:s24+$0xFFFFFFD0]  }
0x4b: {  	s23 =	sor.u32 s22, s23;
	v11 =	vld [tilespmem:s24+$0xFFFFFFE0]  }
0x4c: {  	v10 =	vld [tilespmem:s23+$0x300]  }
0x4d: {  	v12 =	vld [tilespmem:s24+$0x0]  }
0x4e: {  	s31 =	sshll.u32 s19, $0x2;
	s25 =	sand.u32 $0x7, s18;
	v13 =	vld [tilespmem:s24+$0x10]  }
0x4f: {  	s25 =	sshll.u32 s25, $0x9;
	v14 =	vld [tilespmem:s24+$0x20];
	s23 =	sand.u32 $0xFFFF0000, s31  }
0x50: {  	v15 =	vld [tilespmem:s24+$0x30];
	s23 =	sor.u32 s25, s23;
	v3 =	vsub.s32 v3, v2  }
0x51: {  	v16 =	vld [tilespmem:s24+$0x40];
	s23 =	sshrl.u32 s23, $0x2;
	v10 =	vsub.s32 v10, v2;
	vm1 =	vlt.s32 v3, $0x0  }
0x52: {  	v63 =	vld [tilespmem:s24+$0x50];
	s23 =	sadd.s32 s23, s17;
	v3 =	vsub.s32 v4, v2;
	vm0 =	vlt.s32 v10, $0x0;
	v18 =	vsel vm1, $0x3F800000, v0  }
0x53: {  	v17 =	vld [tilespmem:s24+$0x60];
	vm14 =	vlt.s32 v3, $0x0;
	v3 =	vsub.s32 v5, v2;
	v4 =	vsel vm0, $0x3F800000, v0;
	[tilespmem:s23+$0xFFFFFC00] =	vst v18  }
0x54: {  	vm15 =	vlt.s32 v3, $0x0;
	v3 =	vsub.s32 v6, v2;
	[tilespmem:s23+$0x0] =	vst v4;
	v4 =	vsel vm14, $0x3F800000, v0  }
0x55: {  	v5 =	vsel vm15, $0x3F800000, v0;
	vm4 =	vlt.s32 v3, $0x0;
	v3 =	vsub.s32 v7, v2;
	[tilespmem:s23+$0xFFFFFC10] =	vst v4  }
0x56: {  	v4 =	vsel vm4, $0x3F800000, v0;
	vm5 =	vlt.s32 v3, $0x0;
	v3 =	vsub.s32 v8, v2;
	[tilespmem:s23+$0xFFFFFC20] =	vst v5  }
0x57: {  	v5 =	vsel vm5, $0x3F800000, v0;
	vm6 =	vlt.s32 v3, $0x0;
	v3 =	vsub.s32 v9, v2;
	[tilespmem:s23+$0xFFFFFC30] =	vst v4  }
0x58: {  	v4 =	vsel vm6, $0x3F800000, v0;
	vm7 =	vlt.s32 v3, $0x0;
	v3 =	vsub.s32 v11, v2;
	[tilespmem:s23+$0xFFFFFC40] =	vst v5  }
0x59: {  	v5 =	vsel vm7, $0x3F800000, v0;
	vm8 =	vlt.s32 v3, $0x0;
	v3 =	vsub.s32 v12, v2;
	[tilespmem:s23+$0xFFFFFC50] =	vst v4  }
0x5a: {  	v4 =	vsel vm8, $0x3F800000, v0;
	vm9 =	vlt.s32 v3, $0x0;
	v3 =	vsub.s32 v13, v2;
	[tilespmem:s23+$0xFFFFFC60] =	vst v5  }
0x5b: {  	v5 =	vsel vm9, $0x3F800000, v0;
	vm10 =	vlt.s32 v3, $0x0;
	v3 =	vsub.s32 v14, v2;
	[tilespmem:s23+$0xFFFFFC70] =	vst v4  }
0x5c: {  	v4 =	vsel vm10, $0x3F800000, v0;
	vm11 =	vlt.s32 v3, $0x0;
	v3 =	vsub.s32 v15, v2;
	[tilespmem:s23+$0x10] =	vst v5  }
0x5d: {  	v5 =	vsel vm11, $0x3F800000, v0;
	vm12 =	vlt.s32 v3, $0x0;
	v3 =	vsub.s32 v16, v2;
	[tilespmem:s23+$0x20] =	vst v4  }
0x5e: {  	v4 =	vsel vm12, $0x3F800000, v0;
	vm13 =	vlt.s32 v3, $0x0;
	v3 =	vsub.s32 v63, v2;
	[tilespmem:s23+$0x30] =	vst v5  }
0x5f: {  	v5 =	vsel vm13, $0x3F800000, v0;
	vm14 =	vlt.s32 v3, $0x0;
	v3 =	vsub.s32 v17, v2;
	[tilespmem:s23+$0x40] =	vst v4  }
0x60: {  	v4 =	vsel vm14, $0x3F800000, v0;
	vm15 =	vlt.s32 v3, $0x0;
	[tilespmem:s23+$0x50] =	vst v5  }
0x61: {  	v3 =	vsel vm15, $0x3F800000, v0;
	[tilespmem:s23+$0x60] =	vst v4  }
0x62: {  	s24 =	sadd.s32 $0x100, s24;
	[tilespmem:s23+$0x70] =	vst v3  }
0x63: {  	v7 =	vld [tilespmem:s24+$0xFFFFFF70]  }
0x64: {  	v6 =	vld [tilespmem:s24+$0xFFFFFF80]  }
0x65: {  	v5 =	vld [tilespmem:s24+$0xFFFFFF90]  }
0x66: {  	v4 =	vld [tilespmem:s24+$0xFFFFFFA0]  }
0x67: {  	s26 =	sadd.s32 $0x100, s21;
	s25 =	simm.s32 $0x200;
	v3 =	vld [tilespmem:s24+$0xFFFFFFB0]  }
.LBB2_6:
0x68: {  	p1 =	sne.s32 s25, $0x700;
	v8 =	vld [tilespmem:s24+$0xFFFFFFC0];
	s26 =	sand.u32 $0xFFFFFF80, s26;
	v7 =	vsub.s32 v7, v2  }
0x69: {  	v9 =	vld [tilespmem:s24+$0xFFFFFFD0];
	s26 =	sor.u32 s22, s26;
	vm0 =	vlt.s32 v7, $0x0;
	v6 =	vsub.s32 v6, v2  }
0x6a: {  	v7 =	vld [tilespmem:s26+$0x300];
	v10 =	vsel vm0, $0x3F800000, v0;
	vm0 =	vlt.s32 v6, $0x0;
	v5 =	vsub.s32 v5, v2  }
0x6b: {  	v6 =	vld [tilespmem:s24+$0xFFFFFFE0];
	v11 =	vsel vm0, $0x3F800000, v0;
	vm0 =	vlt.s32 v5, $0x0;
	v4 =	vsub.s32 v4, v2  }
0x6c: {  	v5 =	vld [tilespmem:s24+$0x0];
	v12 =	vsel vm0, $0x3F800000, v0;
	vm0 =	vlt.s32 v4, $0x0;
	v3 =	vsub.s32 v3, v2  }
0x6d: {  	v4 =	vld [tilespmem:s24+$0x10];
	v13 =	vsel vm0, $0x3F800000, v0;
	vm0 =	vlt.s32 v3, $0x0;
	v3 =	vsub.s32 v8, v2  }
0x6e: {  	v8 =	vld [tilespmem:s24+$0x20];
	v14 =	vsel vm0, $0x3F800000, v0;
	vm0 =	vlt.s32 v3, $0x0;
	v3 =	vsub.s32 v9, v2  }
0x6f: {  	v9 =	vld [tilespmem:s24+$0x30];
	v15 =	vsel vm0, $0x3F800000, v0;
	vm0 =	vlt.s32 v3, $0x0;
	v3 =	vsub.s32 v7, v2  }
0x70: {  	v7 =	vld [tilespmem:s24+$0x40];
	v16 =	vsel vm0, $0x3F800000, v0;
	v6 =	vsub.s32 v6, v2;
	vm0 =	vlt.s32 v3, $0x0  }
0x71: {  	s23 =	sadd.s32 $0x800, s23;
	v3 =	vld [tilespmem:s24+$0x50];
	vm1 =	vlt.s32 v6, $0x0;
	v6 =	vsel vm0, $0x3F800000, v0;
	v5 =	vsub.s32 v5, v2  }
0x72: {  	v17 =	vld [tilespmem:s24+$0x60];
	v18 =	vsel vm1, $0x3F800000, v0;
	[tilespmem:s23+$0x0] =	vst v6;
	vm0 =	vlt.s32 v5, $0x0;
	v4 =	vsub.s32 v4, v2  }
0x73: {  	[tilespmem:s23+$0xFFFFFC00] =	vst v10;
	v5 =	vsel vm0, $0x3F800000, v0;
	vm0 =	vlt.s32 v4, $0x0;
	v4 =	vsub.s32 v8, v2  }
0x74: {  	[tilespmem:s23+$0xFFFFFC10] =	vst v11;
	v6 =	vsel vm0, $0x3F800000, v0;
	vm0 =	vlt.s32 v4, $0x0;
	v4 =	vsub.s32 v9, v2  }
0x75: {  	[tilespmem:s23+$0xFFFFFC20] =	vst v12;
	v8 =	vsel vm0, $0x3F800000, v0;
	vm0 =	vlt.s32 v4, $0x0;
	v4 =	vsub.s32 v7, v2  }
0x76: {  	[tilespmem:s23+$0xFFFFFC30] =	vst v13;
	v7 =	vsel vm0, $0x3F800000, v0;
	vm0 =	vlt.s32 v4, $0x0;
	v3 =	vsub.s32 v3, v2  }
0x77: {  	[tilespmem:s23+$0xFFFFFC40] =	vst v14;
	v4 =	vsel vm0, $0x3F800000, v0;
	vm0 =	vlt.s32 v3, $0x0;
	v3 =	vsub.s32 v17, v2  }
0x78: {  	[tilespmem:s23+$0xFFFFFC50] =	vst v15;
	v9 =	vsel vm0, $0x3F800000, v0;
	vm0 =	vlt.s32 v3, $0x0  }
0x79: {  	[tilespmem:s23+$0xFFFFFC60] =	vst v16;
	v3 =	vsel vm0, $0x3F800000, v0  }
0x7a: {  	[tilespmem:s23+$0xFFFFFC70] =	vst v18  }
0x7b: {  	[tilespmem:s23+$0x10] =	vst v5  }
0x7c: {  	[tilespmem:s23+$0x20] =	vst v6  }
0x7d: {  	[tilespmem:s23+$0x30] =	vst v8  }
0x7e: {  	[tilespmem:s23+$0x40] =	vst v7  }
0x7f: {  	[tilespmem:s23+$0x50] =	vst v4  }
0x80: {  	[tilespmem:s23+$0x60] =	vst v9  }
0x81: {  	s24 =	sadd.s32 $0x100, s24;
	[tilespmem:s23+$0x70] =	vst v3  }
.Ltmp1:
0x82: {  	v7 =	vld [tilespmem:s24+$0xFFFFFF70];
	(pc) =	sbr.rel @p1 .LBB2_6-.Ltmp1, $4  }
0x83: {  	v6 =	vld [tilespmem:s24+$0xFFFFFF80]  }
0x84: {  	v5 =	vld [tilespmem:s24+$0xFFFFFF90]  }
0x85: {  	v4 =	vld [tilespmem:s24+$0xFFFFFFA0]  }
0x86: {  	s26 =	sadd.s32 s25, s21;
	s25 =	sadd.s32 $0x100, s25;
	v3 =	vld [tilespmem:s24+$0xFFFFFFB0]  }
0x87: {  	v8 =	vld [tilespmem:s24+$0xFFFFFFC0]  }
0x88: {  	v9 =	vld [tilespmem:s24+$0xFFFFFFD0]  }
0x89: {  	v11 =	vld [tilespmem:s24+$0xFFFFFFE0]  }
0x8a: {  	v12 =	vld [tilespmem:s24+$0x0]  }
0x8b: {  	v13 =	vld [tilespmem:s24+$0x10]  }
0x8c: {  	v14 =	vld [tilespmem:s24+$0x20]  }
0x8d: {  	v15 =	vld [tilespmem:s24+$0x30]  }
0x8e: {  	s21 =	sand.u32 $0xFFFFFF80, s26;
	v16 =	vld [tilespmem:s24+$0x40];
	v7 =	vsub.s32 v7, v2  }
0x8f: {  	v53 =	vld [tilespmem:s24+$0x50];
	s21 =	sor.u32 s22, s21;
	vm1 =	vlt.s32 v7, $0x0;
	v6 =	vsub.s32 v6, v2  }
0x90: {  	s31 =	sadd.s32 $0x800, s23;
	v10 =	vld [tilespmem:s21+$0x300];
	v18 =	vsel vm1, $0x3F800000, v0;
	vm14 =	vlt.s32 v6, $0x0;
	v5 =	vsub.s32 v5, v2  }
0x91: {  	v17 =	vld [tilespmem:s24+$0x60];
	v6 =	vsel vm14, $0x3F800000, v0;
	vm15 =	vlt.s32 v5, $0x0;
	v4 =	vsub.s32 v4, v2;
	[tilespmem:s31+$0xFFFFFC00] =	vst v18  }
0x92: {  	v5 =	vsel vm15, $0x3F800000, v0;
	vm4 =	vlt.s32 v4, $0x0;
	v3 =	vsub.s32 v3, v2;
	[tilespmem:s31+$0xFFFFFC10] =	vst v6  }
0x93: {  	v4 =	vsel vm4, $0x3F800000, v0;
	vm5 =	vlt.s32 v3, $0x0;
	v3 =	vsub.s32 v8, v2;
	[tilespmem:s31+$0xFFFFFC20] =	vst v5  }
0x94: {  	v55 =	vsel vm5, $0x3F800000, v0;
	vm6 =	vlt.s32 v3, $0x0;
	v3 =	vsub.s32 v9, v2;
	[tilespmem:s31+$0xFFFFFC30] =	vst v4  }
0x95: {  	v10 =	vsub.s32 v10, v2;
	v56 =	vsel vm6, $0x3F800000, v0;
	vm7 =	vlt.s32 v3, $0x0;
	[tilespmem:s31+$0xFFFFFC40] =	vst v55  }
0x96: {  	v3 =	vsub.s32 v11, v2;
	vm0 =	vlt.s32 v10, $0x0;
	v57 =	vsel vm7, $0x3F800000, v0;
	[tilespmem:s31+$0xFFFFFC50] =	vst v56  }
0x97: {  	vm8 =	vlt.s32 v3, $0x0;
	v3 =	vsub.s32 v12, v2;
	v54 =	vsel vm0, $0x3F800000, v0;
	[tilespmem:s31+$0xFFFFFC60] =	vst v57  }
0x98: {  	v58 =	vsel vm8, $0x3F800000, v0;
	vm9 =	vlt.s32 v3, $0x0;
	v3 =	vsub.s32 v13, v2;
	[tilespmem:s31+$0x0] =	vst v54  }
0x99: {  	v59 =	vsel vm9, $0x3F800000, v0;
	vm10 =	vlt.s32 v3, $0x0;
	v3 =	vsub.s32 v14, v2;
	[tilespmem:s31+$0xFFFFFC70] =	vst v58  }
0x9a: {  	s20 =	sadd.s32 $0x1, s20;
	v60 =	vsel vm10, $0x3F800000, v0;
	vm11 =	vlt.s32 v3, $0x0;
	v3 =	vsub.s32 v15, v2;
	[tilespmem:s31+$0x10] =	vst v59  }
0x9b: {  	p1 =	sne.s32 s20, $0x10;
	v61 =	vsel vm11, $0x3F800000, v0;
	vm12 =	vlt.s32 v3, $0x0;
	v3 =	vsub.s32 v16, v2;
	[tilespmem:s31+$0x20] =	vst v60  }
.Ltmp2:
0x9c: {  	v62 =	vsel vm12, $0x3F800000, v0;
	vm13 =	vlt.s32 v3, $0x0;
	v3 =	vsub.s32 v53, v2;
	[tilespmem:s31+$0x30] =	vst v61;
	(pc) =	sbr.rel @p1 .LBB2_5-.Ltmp2, $4  }
0x9d: {  	v2 =	vsub.s32 v17, v2;
	v63 =	vsel vm13, $0x3F800000, v0;
	vm14 =	vlt.s32 v3, $0x0;
	[tilespmem:s31+$0x40] =	vst v62  }
0x9e: {  	vm15 =	vlt.s32 v2, $0x0;
	v3 =	vsel vm14, $0x3F800000, v0;
	[tilespmem:s31+$0x50] =	vst v63  }
0x9f: {  	v2 =	vsel vm15, $0x3F800000, v0;
	[tilespmem:s31+$0x60] =	vst v3  }
0xa0: {  	s19 =	sadd.s32 $0x800, s19;
	s18 =	sadd.s32 $0x1, s18;
	[tilespmem:s31+$0x70] =	vst v2  }
0xa1: {  	p1 =	seq.s32 s15, $0x1;
	s14 =	sshll.u32 s14, $0x12;
	s13 =	sadd.s32 $0x1, s13  }
0xa2: {  	s15 =	sadd.s32 @p1 s14, s6;
	s16 =	simm.s32 @p1 $0x0;
	s17 =	simm.s32 @p1 $0x10080  }
0xa3: {  	[hbm4b:s15+s16] =	stream.linear.scatter @p1 [tilespmem:s17], [sflag:$0x2], $0x8000, $0x38;
	[tilespmem:$0x18080] =	vst v63  }
0xa4: {  	s14 =	sadd.s32 @!p1 s14, s4;
	s15 =	simm.s32 @!p1 $0x0;
	s16 =	simm.s32 @!p1 $0x8080  }
0xa5: {  	[hbm4b:s14+s15] =	stream.linear.scatter @!p1 [tilespmem:s16], [sflag:$0x1], $0x8000, $0x38;
	[tilespmem:$0x18080] =	vst v63  }
0xa6: {  	p1 =	sne.s32 s13, $0x28  }
.Ltmp3:
0xa7: {  	_ = 	snop;
	(pc) =	sbr.rel @p1 .LBB2_4-.Ltmp3, $2  }
0xa8: {  	_ =	sdelay $0x2  }
0xa9: {  	p0 =	por !p0, !p0  }
0xaa: {  	s12 =	sadd.s32 $0x1, s12  }
0xab: {  	_ =	swait.ge [sflag:s10], $0x8000;
	p0 =	sne.s32 s12, s7  }
.Ltmp4:
0xac: {  	[sflag:s10] =	ssyncset.done $0x0;
	(pc) =	sbr.rel @p0 .LBB2_1-.Ltmp4, $4  }
0xad: {  	[sflag:s10] =	ssyncadd.s32 $0xFFFF8000  }
0xae: {  	_ =	swait.ge [sflag:s11], $0x8000  }
0xaf: {  	[sflag:s11] =	ssyncset.done $0x0  }
0xb0: {  	[sflag:s11] =	ssyncadd.s32 $0xFFFF8000  }
0xb1: {  	_ =	sfence.sel $0x180000  }
0xb2: {  	[bflag:$0x0] =	sbarrier.arrive $0xFFFF  }
0xb3: {  	p0 =	sne.s32 s1, $0x0;
	_ =	strace $0x90000047  }
0xb4: {  	s0 =	sadd.s32 @!p0 $0x100000, s0;
	[bflag:$0x2] =	sbarrier.arrive $0xFFFF  }
0xb5: {  	[sflag:s0] =	ssyncadd.tile.s32 @!p0 $0x1;
	_ =	shalt  }
.Lfunc_end2:
_tile_overlayer_lowered:
.L_overlay_start_2:
0xb6: {  	(tag) =	ssettag $0x2  }
0xb7: {  	s0 =	rddreg [dreg:$0x0];
	s2 =	stileid.u32  }
0xb8: {  	s1 =	rddreg [dreg:$0x1];
	p0 =	sne.s32 s2, $0x0  }
0xb9: {  	s3 =	rddreg [dreg:$0x2];
	[bflag:$0x3] =	sbarrier.arrive $0xFFFF;
	s2 =	simm.s32 @!p0 $0x1C03  }
0xba: {  	[timem:s3], [sflag:s2] =	dma.local @!p0 [hbm:s0], s1  }
0xbb: {  	s0 =	simm.s32 @!p0 $0x3  }
0xbc: {  	_ =	swait.ge @!p0 [sflag:s0], s1  }
0xbd: {  	s1 =	ssub.s32 @!p0 $0x0, s1;
	[sflag:s0] =	ssyncset.done @!p0 $0x0  }
0xbe: {  	[sflag:s0] =	ssyncadd.s32 @!p0 s1  }
0xbf: {  	[bflag:$0x3] =	sbarrier.arrive $0xFFFF  }
0xc0: {  	_ =	shalt  }

</sc_bundles>
